<compile_context>
chip_gen: v7x
topology: tpu7x:2x2x1
jax: 0.10.2.dev20260603
libtpu: 0.0.44.dev20260713+nightly
codegen_flags: <defaults>
</compile_context>

<pallas_src>
import functools

import jax
import jax.numpy as jnp
from jax import lax
from jax.experimental import pallas as pl
from jax.experimental.pallas import tpu as pltpu
from jax.experimental.pallas import tpu_sc as plsc

VOCAB = 100000
HIDDEN = 64
B = 4096
L = 200

_NC = 2
_NS = 16
_NW = _NC * _NS

_RPC = 8
_SUB = 2
_ROWS_PER_W = B // _NW
_CHUNKS_PER_W = _ROWS_PER_W // _RPC
_OFFS = list(range(0, L - 16, 16)) + [L - 16]


def _sc_emb_body(x_hbm, tok_hbm, pos_hbm, out_hbm,
                 pos_v, xi_v, rows_v, out_v, sem):
    wid = lax.axis_index("s") * _NC + lax.axis_index("c")
    pltpu.sync_copy(pos_hbm, pos_v)
    row0 = wid * _ROWS_PER_W

    def chunk_body(ch, carry):
        r0 = row0 + ch * _RPC
        pltpu.sync_copy(x_hbm.at[pl.ds(r0, _RPC)], xi_v)

        def sub_body(r, c1):
            cps = []
            for b in range(_SUB):
                for off in _OFFS:
                    idx16 = xi_v[_SUB * r + b, pl.ds(off, 16)]
                    cps.append(pltpu.async_copy(
                        tok_hbm.at[idx16],
                        rows_v.at[pl.ds(b * L + off, 16)],
                        sem,
                    ))
            for cp in cps:
                cp.wait()

            def row_body(l, c2):
                for b in range(_SUB):
                    for c in range(HIDDEN // 16):
                        sl = pl.ds(c * 16, 16)
                        out_v[b, l, sl] = rows_v[b * L + l, sl] + pos_v[l, sl]
                return c2

            lax.fori_loop(0, L, row_body, 0)
            pltpu.sync_copy(out_v, out_hbm.at[pl.ds(r0 + _SUB * r, _SUB)])
            return c1

        lax.fori_loop(0, _RPC // _SUB, sub_body, 0)
        return carry

    lax.fori_loop(0, _CHUNKS_PER_W, chunk_body, 0)


def _sc_emb(x, tok_wide, pos_table):
    mesh = plsc.VectorSubcoreMesh(core_axis_name="c", subcore_axis_name="s")
    f = functools.partial(
        pl.kernel,
        mesh=mesh,
        out_type=jax.ShapeDtypeStruct((B, L, HIDDEN), jnp.float32),
        scratch_types=[
            pltpu.VMEM((L, HIDDEN), jnp.float32),
            pltpu.VMEM((_RPC, L), jnp.int32),
            pltpu.VMEM((_SUB * L, 128), jnp.float32),
            pltpu.VMEM((_SUB, L, HIDDEN), jnp.float32),
            pltpu.SemaphoreType.DMA,
        ],
        compiler_params=pltpu.CompilerParams(use_tc_tiling_on_sc=True),
    )(_sc_emb_body)
    return f(x, tok_wide, pos_table)


_RPB = 1000


def _repack_body(t_ref, o_ref):
    o_ref[:, :HIDDEN] = t_ref[...]


def _tc_repack(token_table):
    return pl.pallas_call(
        _repack_body,
        grid=(VOCAB // _RPB,),
        in_specs=[pl.BlockSpec((_RPB, HIDDEN), lambda i: (i, 0))],
        out_specs=pl.BlockSpec((_RPB, 128), lambda i: (i, 0)),
        out_shape=jax.ShapeDtypeStruct((VOCAB, 128), jnp.float32),
    )(token_table)


_T_BB = 256
_T_LB = 8


def _tr_body(i_ref, o_ref):
    r = lax.broadcasted_iota(jnp.int32, (HIDDEN, HIDDEN), 0)
    c = lax.broadcasted_iota(jnp.int32, (HIDDEN, HIDDEN), 1)
    ident = (r == c).astype(jnp.float32)
    for l in range(_T_LB):
        o_ref[l] = lax.dot_general(
            ident, i_ref[:, l, :],
            (((1,), (1,)), ((), ())),
            preferred_element_type=jnp.float32,
            precision=lax.Precision.HIGHEST,
        )


def _tc_transpose(emb_blh):
    return pl.pallas_call(
        _tr_body,
        grid=(L // _T_LB, B // _T_BB),
        in_specs=[pl.BlockSpec((_T_BB, _T_LB, HIDDEN), lambda l, b: (b, l, 0))],
        out_specs=pl.BlockSpec((_T_LB, HIDDEN, _T_BB), lambda l, b: (l, 0, b)),
        out_shape=jax.ShapeDtypeStruct((L, HIDDEN, B), jnp.float32),
    )(emb_blh)


_MASK_BB = 128


def _mask_body(xt_ref, o_ref):
    m = (xt_ref[...] > 0).astype(jnp.int8)

    def body(i, c):
        o_ref[i] = m
        return c

    lax.fori_loop(0, L, body, 0)


def _tc_mask(xt):
    return pl.pallas_call(
        _mask_body,
        grid=(B // _MASK_BB,),
        in_specs=[pl.BlockSpec((L, _MASK_BB), lambda i: (0, i))],
        out_specs=pl.BlockSpec((L, L, _MASK_BB), lambda i: (0, 0, i)),
        out_shape=jax.ShapeDtypeStruct((L, L, B), jnp.int8),
    )(xt)


def kernel(x, token_table, pos_table):
    tok_wide = _tc_repack(token_table)
    emb_blh = _sc_emb(x, tok_wide, pos_table)
    emb = jnp.transpose(_tc_transpose(emb_blh), (2, 0, 1))
    m8 = _tc_mask(jnp.transpose(x))
    mask = jnp.transpose(m8, (2, 0, 1))[:, None, :, :].astype(jnp.bool_)
    return emb, mask

# --- scband reference (transcript-rebuilt; emitter-appended) ---
"""Pipeline reference for scband-sasembedding-17282948399647 (READ-ONLY COPY).

The authoritative reference and input builder live on the scoring server;
editing this copy changes nothing except your own understanding.
"""

import jax, jax.numpy as jnp
import numpy as np

VOCAB = 100000
HIDDEN = 64
MAX_LEN = 200
B = 4096
L = 200


def setup_inputs(seed: int = 0) -> dict:
    key = jax.random.key(seed)
    k1, k2, k3 = jax.random.split(key, 3)
    x = jax.random.randint(k1, (B, L), 0, VOCAB, dtype=jnp.int32)
    token_table = jax.random.normal(k2, (VOCAB, HIDDEN), dtype=jnp.float32) * 0.02
    pos_table = jax.random.normal(k3, (MAX_LEN, HIDDEN), dtype=jnp.float32) * 0.02
    return {"x": x, "token_table": token_table, "pos_table": pos_table}


def reference(x, token_table, pos_table):
    # Faithful translation of SASEmbedding.forward for 2-D integer input x.
    b, l = x.shape
    # get_mask: (x > 0).unsqueeze(1).repeat(1, L, 1).unsqueeze(1) -> [B, 1, L, L]
    m = (x > 0)
    mask = jnp.broadcast_to(m[:, None, :], (b, l, l))[:, None, :, :]
    # token embedding lookup (SparseCore gather) + learned positional embedding
    tok = jnp.take(token_table, x, axis=0)  # [B, L, H]
    pos = pos_table[None, :l, :]            # [1, L, H] broadcast over batch
    emb = tok + pos
    # dropout is identity in eval mode
    return (emb, mask)

if __name__ == "__main__":
    import jax
    _d = setup_inputs()
    print(jax.jit(kernel)(*tuple(_d.values())))

</pallas_src>

<mosaic_0001>
#map = affine_map<(d0, d1) -> (0, 0)>
#map1 = affine_map<(d0, d1) -> (0, 0, 0)>
module attributes {stable_mosaic.version = 14 : i64} {
  func.func @_sc_emb_body(%arg0: i32, %arg1: i32, %arg2: memref<4096x200xi32, #tpu.memory_space<hbm>>, %arg3: memref<100000x128xf32, #tpu.memory_space<hbm>>, %arg4: memref<200x64xf32, #tpu.memory_space<hbm>>, %arg5: memref<4096x200x64xf32, #tpu.memory_space<hbm>>, %arg6: memref<200x64xf32, #tpu.memory_space<vmem>>, %arg7: memref<8x200xi32, #tpu.memory_space<vmem>>, %arg8: memref<400x128xf32, #tpu.memory_space<vmem>>, %arg9: memref<2x200x64xf32, #tpu.memory_space<vmem>>, %arg10: memref<!tpu.dma_semaphore, #tpu.memory_space<semaphore_mem>>) attributes {dimension_semantics = [#tpu.dimension_semantics<core_parallel>, #tpu.dimension_semantics<subcore_parallel>], iteration_bounds = array<i64: 2, 16>, scalar_prefetch = 0 : i64, scratch_operands = 5 : i64, tpu.core_type = #tpu.core_type<sc_vector_subcore>, window_params = [{transform_indices = #map}, {transform_indices = #map}, {transform_indices = #map}, {transform_indices = #map1}]} {
    %mul3A = arith.constant 2 : i32
    %mul3A_0 = arith.muli %arg1, %mul3A : i32
    %add3A = arith.addi %mul3A_0, %arg0 : i32
    "tpu.region"() ({
      %run_scoped3A = tpu.sem_alloc : memref<!tpu.dma_semaphore, #tpu.memory_space<semaphore_mem>>
      tpu.enqueue_dma source(%arg4 : memref<200x64xf32, #tpu.memory_space<hbm>>) target(%arg6 : memref<200x64xf32, #tpu.memory_space<vmem>>) target_semaphore(%run_scoped3A : memref<!tpu.dma_semaphore, #tpu.memory_space<semaphore_mem>>)
      tpu.wait_dma2 semaphore(%run_scoped3A : memref<!tpu.dma_semaphore, #tpu.memory_space<semaphore_mem>>) src(%arg4 : memref<200x64xf32, #tpu.memory_space<hbm>>) dst(%arg6 : memref<200x64xf32, #tpu.memory_space<vmem>>)
      tpu.yield
    }) : () -> ()
    %mul3A_1 = arith.constant 128 : i32
    %mul3A_2 = arith.muli %add3A, %mul3A_1 : i32
    %scan3A = arith.constant 0 : i32
    %scan3A_3 = arith.constant 0 : i32
    %scan3A_4 = arith.constant 16 : i32
    %scan3A_5 = arith.addi %scan3A_3, %scan3A_4 : i32
    %scan3A_6 = arith.constant 1 : i32
    scf.for %scan3A_8 = %scan3A_3 to %scan3A_5 step %scan3A_6  : i32 {
      %mul3A_9 = arith.constant 8 : i32
      %mul3A_10 = arith.muli %scan3A_8, %mul3A_9 : i32
      %add3A_11 = arith.addi %mul3A_2, %mul3A_10 : i32
      "tpu.region"() ({
        %run_scoped3A = tpu.sem_alloc : memref<!tpu.dma_semaphore, #tpu.memory_space<semaphore_mem>>
        %dma_start3A = arith.constant 0 : i32
        %dma_start3A_18 = tpu.memref_slice %arg2[%add3A_11, %dma_start3A] : memref<4096x200xi32, #tpu.memory_space<hbm>> -> memref<8x200xi32, #tpu.memory_space<hbm>>
        %dma_start3A_19 = arith.constant 0 : i32
        %dma_start3A_20 = tpu.memref_slice %arg2[%add3A_11, %dma_start3A_19] : memref<4096x200xi32, #tpu.memory_space<hbm>> -> memref<8x200xi32, #tpu.memory_space<hbm>>
        tpu.enqueue_dma source(%dma_start3A_20 : memref<8x200xi32, #tpu.memory_space<hbm>>) target(%arg7 : memref<8x200xi32, #tpu.memory_space<vmem>>) target_semaphore(%run_scoped3A : memref<!tpu.dma_semaphore, #tpu.memory_space<semaphore_mem>>)
        %dma_wait3A = arith.constant 0 : i32
        %dma_wait3A_21 = tpu.memref_slice %arg2[%add3A_11, %dma_wait3A] : memref<4096x200xi32, #tpu.memory_space<hbm>> -> memref<8x200xi32, #tpu.memory_space<hbm>>
        %dma_wait3A_22 = arith.constant 0 : i32
        %dma_wait3A_23 = tpu.memref_slice %arg2[%add3A_11, %dma_wait3A_22] : memref<4096x200xi32, #tpu.memory_space<hbm>> -> memref<8x200xi32, #tpu.memory_space<hbm>>
        tpu.wait_dma2 semaphore(%run_scoped3A : memref<!tpu.dma_semaphore, #tpu.memory_space<semaphore_mem>>) src(%dma_wait3A_23 : memref<8x200xi32, #tpu.memory_space<hbm>>) dst(%arg7 : memref<8x200xi32, #tpu.memory_space<vmem>>)
        tpu.yield
      }) : () -> ()
      %scan3A_12 = arith.constant 0 : i32
      %scan3A_13 = arith.constant 0 : i32
      %scan3A_14 = arith.constant 4 : i32
      %scan3A_15 = arith.addi %scan3A_13, %scan3A_14 : i32
      %scan3A_16 = arith.constant 1 : i32
      scf.for %scan3A_18 = %scan3A_13 to %scan3A_15 step %scan3A_16  : i32 {
        %mul3A_19 = arith.constant 2 : i32
        %mul3A_20 = arith.muli %mul3A_19, %scan3A_18 : i32
        %add3A_21 = arith.constant 0 : i32
        %add3A_22 = arith.addi %mul3A_20, %add3A_21 : i32
        %get3A = arith.index_cast %add3A_22 : i32 to index
        %get3A_23 = arith.constant 0 : index
        %get3A_24 = tpu.vector_load %arg7[%get3A, %get3A_23] {strides = array<i32>} : memref<8x200xi32, #tpu.memory_space<vmem>>, vector<1x16xi32>,
        %get3A_25 = vector.shape_cast %get3A_24 : vector<1x16xi32> to vector<16xi32>
        %dma_start3A = arith.constant 0 : i32
        %dma_start3A_26 = arith.constant 0 : i32
        %dma_start3A_27 = tpu.memref_slice %arg8[%dma_start3A, %dma_start3A_26] : memref<400x128xf32, #tpu.memory_space<vmem>> -> memref<16x128xf32, #tpu.memory_space<vmem>>
        %dma_start3A_28 = arith.constant 0 : i32
        %dma_start3A_29 = arith.constant 0 : i32
        %dma_start3A_30 = tpu.memref_slice %arg3[%dma_start3A_28, %dma_start3A_29] : memref<100000x128xf32, #tpu.memory_space<hbm>> -> memref<100000x128xf32, #tpu.memory_space<hbm>>
        tpu.enqueue_indirect_dma source(%dma_start3A_30 : memref<100000x128xf32, #tpu.memory_space<hbm>>) target(%dma_start3A_27 : memref<16x128xf32, #tpu.memory_space<vmem>>) offsets(%get3A_25 : vector<16xi32>) semaphore(%arg10 : memref<!tpu.dma_semaphore, #tpu.memory_space<semaphore_mem>>)
        %mul3A_31 = arith.constant 2 : i32
        %mul3A_32 = arith.muli %mul3A_31, %scan3A_18 : i32
        %add3A_33 = arith.constant 0 : i32
        %add3A_34 = arith.addi %mul3A_32, %add3A_33 : i32
        %get3A_35 = arith.index_cast %add3A_34 : i32 to index
        %get3A_36 = arith.constant 16 : index
        %get3A_37 = tpu.vector_load %arg7[%get3A_35, %get3A_36] {strides = array<i32>} : memref<8x200xi32, #tpu.memory_space<vmem>>, vector<1x16xi32>,
        %get3A_38 = vector.shape_cast %get3A_37 : vector<1x16xi32> to vector<16xi32>
        %dma_start3A_39 = arith.constant 16 : i32
        %dma_start3A_40 = arith.constant 0 : i32
        %dma_start3A_41 = tpu.memref_slice %arg8[%dma_start3A_39, %dma_start3A_40] : memref<400x128xf32, #tpu.memory_space<vmem>> -> memref<16x128xf32, #tpu.memory_space<vmem>>
        %dma_start3A_42 = arith.constant 0 : i32
        %dma_start3A_43 = arith.constant 0 : i32
        %dma_start3A_44 = tpu.memref_slice %arg3[%dma_start3A_42, %dma_start3A_43] : memref<100000x128xf32, #tpu.memory_space<hbm>> -> memref<100000x128xf32, #tpu.memory_space<hbm>>
        tpu.enqueue_indirect_dma source(%dma_start3A_44 : memref<100000x128xf32, #tpu.memory_space<hbm>>) target(%dma_start3A_41 : memref<16x128xf32, #tpu.memory_space<vmem>>) offsets(%get3A_38 : vector<16xi32>) semaphore(%arg10 : memref<!tpu.dma_semaphore, #tpu.memory_space<semaphore_mem>>)
        %mul3A_45 = arith.constant 2 : i32
        %mul3A_46 = arith.muli %mul3A_45, %scan3A_18 : i32
        %add3A_47 = arith.constant 0 : i32
        %add3A_48 = arith.addi %mul3A_46, %add3A_47 : i32
        %get3A_49 = arith.index_cast %add3A_48 : i32 to index
        %get3A_50 = arith.constant 32 : index
        %get3A_51 = tpu.vector_load %arg7[%get3A_49, %get3A_50] {strides = array<i32>} : memref<8x200xi32, #tpu.memory_space<vmem>>, vector<1x16xi32>,
        %get3A_52 = vector.shape_cast %get3A_51 : vector<1x16xi32> to vector<16xi32>
        %dma_start3A_53 = arith.constant 32 : i32
        %dma_start3A_54 = arith.constant 0 : i32
        %dma_start3A_55 = tpu.memref_slice %arg8[%dma_start3A_53, %dma_start3A_54] : memref<400x128xf32, #tpu.memory_space<vmem>> -> memref<16x128xf32, #tpu.memory_space<vmem>>
        %dma_start3A_56 = arith.constant 0 : i32
        %dma_start3A_57 = arith.constant 0 : i32
        %dma_start3A_58 = tpu.memref_slice %arg3[%dma_start3A_56, %dma_start3A_57] : memref<100000x128xf32, #tpu.memory_space<hbm>> -> memref<100000x128xf32, #tpu.memory_space<hbm>>
        tpu.enqueue_indirect_dma source(%dma_start3A_58 : memref<100000x128xf32, #tpu.memory_space<hbm>>) target(%dma_start3A_55 : memref<16x128xf32, #tpu.memory_space<vmem>>) offsets(%get3A_52 : vector<16xi32>) semaphore(%arg10 : memref<!tpu.dma_semaphore, #tpu.memory_space<semaphore_mem>>)
        %mul3A_59 = arith.constant 2 : i32
        %mul3A_60 = arith.muli %mul3A_59, %scan3A_18 : i32
        %add3A_61 = arith.constant 0 : i32
        %add3A_62 = arith.addi %mul3A_60, %add3A_61 : i32
        %get3A_63 = arith.index_cast %add3A_62 : i32 to index
        %get3A_64 = arith.constant 48 : index
        %get3A_65 = tpu.vector_load %arg7[%get3A_63, %get3A_64] {strides = array<i32>} : memref<8x200xi32, #tpu.memory_space<vmem>>, vector<1x16xi32>,
        %get3A_66 = vector.shape_cast %get3A_65 : vector<1x16xi32> to vector<16xi32>
        %dma_start3A_67 = arith.constant 48 : i32
        %dma_start3A_68 = arith.constant 0 : i32
        %dma_start3A_69 = tpu.memref_slice %arg8[%dma_start3A_67, %dma_start3A_68] : memref<400x128xf32, #tpu.memory_space<vmem>> -> memref<16x128xf32, #tpu.memory_space<vmem>>
        %dma_start3A_70 = arith.constant 0 : i32
        %dma_start3A_71 = arith.constant 0 : i32
        %dma_start3A_72 = tpu.memref_slice %arg3[%dma_start3A_70, %dma_start3A_71] : memref<100000x128xf32, #tpu.memory_space<hbm>> -> memref<100000x128xf32, #tpu.memory_space<hbm>>
        tpu.enqueue_indirect_dma source(%dma_start3A_72 : memref<100000x128xf32, #tpu.memory_space<hbm>>) target(%dma_start3A_69 : memref<16x128xf32, #tpu.memory_space<vmem>>) offsets(%get3A_66 : vector<16xi32>) semaphore(%arg10 : memref<!tpu.dma_semaphore, #tpu.memory_space<semaphore_mem>>)
        %mul3A_73 = arith.constant 2 : i32
        %mul3A_74 = arith.muli %mul3A_73, %scan3A_18 : i32
        %add3A_75 = arith.constant 0 : i32
        %add3A_76 = arith.addi %mul3A_74, %add3A_75 : i32
        %get3A_77 = arith.index_cast %add3A_76 : i32 to index
        %get3A_78 = arith.constant 64 : index
        %get3A_79 = tpu.vector_load %arg7[%get3A_77, %get3A_78] {strides = array<i32>} : memref<8x200xi32, #tpu.memory_space<vmem>>, vector<1x16xi32>,
        %get3A_80 = vector.shape_cast %get3A_79 : vector<1x16xi32> to vector<16xi32>
        %dma_start3A_81 = arith.constant 64 : i32
        %dma_start3A_82 = arith.constant 0 : i32
        %dma_start3A_83 = tpu.memref_slice %arg8[%dma_start3A_81, %dma_start3A_82] : memref<400x128xf32, #tpu.memory_space<vmem>> -> memref<16x128xf32, #tpu.memory_space<vmem>>
        %dma_start3A_84 = arith.constant 0 : i32
        %dma_start3A_85 = arith.constant 0 : i32
        %dma_start3A_86 = tpu.memref_slice %arg3[%dma_start3A_84, %dma_start3A_85] : memref<100000x128xf32, #tpu.memory_space<hbm>> -> memref<100000x128xf32, #tpu.memory_space<hbm>>
        tpu.enqueue_indirect_dma source(%dma_start3A_86 : memref<100000x128xf32, #tpu.memory_space<hbm>>) target(%dma_start3A_83 : memref<16x128xf32, #tpu.memory_space<vmem>>) offsets(%get3A_80 : vector<16xi32>) semaphore(%arg10 : memref<!tpu.dma_semaphore, #tpu.memory_space<semaphore_mem>>)
        %mul3A_87 = arith.constant 2 : i32
        %mul3A_88 = arith.muli %mul3A_87, %scan3A_18 : i32
        %add3A_89 = arith.constant 0 : i32
        %add3A_90 = arith.addi %mul3A_88, %add3A_89 : i32
        %get3A_91 = arith.index_cast %add3A_90 : i32 to index
        %get3A_92 = arith.constant 80 : index
        %get3A_93 = tpu.vector_load %arg7[%get3A_91, %get3A_92] {strides = array<i32>} : memref<8x200xi32, #tpu.memory_space<vmem>>, vector<1x16xi32>,
        %get3A_94 = vector.shape_cast %get3A_93 : vector<1x16xi32> to vector<16xi32>
        %dma_start3A_95 = arith.constant 80 : i32
        %dma_start3A_96 = arith.constant 0 : i32
        %dma_start3A_97 = tpu.memref_slice %arg8[%dma_start3A_95, %dma_start3A_96] : memref<400x128xf32, #tpu.memory_space<vmem>> -> memref<16x128xf32, #tpu.memory_space<vmem>>
        %dma_start3A_98 = arith.constant 0 : i32
        %dma_start3A_99 = arith.constant 0 : i32
        %dma_start3A_100 = tpu.memref_slice %arg3[%dma_start3A_98, %dma_start3A_99] : memref<100000x128xf32, #tpu.memory_space<hbm>> -> memref<100000x128xf32, #tpu.memory_space<hbm>>
        tpu.enqueue_indirect_dma source(%dma_start3A_100 : memref<100000x128xf32, #tpu.memory_space<hbm>>) target(%dma_start3A_97 : memref<16x128xf32, #tpu.memory_space<vmem>>) offsets(%get3A_94 : vector<16xi32>) semaphore(%arg10 : memref<!tpu.dma_semaphore, #tpu.memory_space<semaphore_mem>>)
        %mul3A_101 = arith.constant 2 : i32
        %mul3A_102 = arith.muli %mul3A_101, %scan3A_18 : i32
        %add3A_103 = arith.constant 0 : i32
        %add3A_104 = arith.addi %mul3A_102, %add3A_103 : i32
        %get3A_105 = arith.index_cast %add3A_104 : i32 to index
        %get3A_106 = arith.constant 96 : index
        %get3A_107 = tpu.vector_load %arg7[%get3A_105, %get3A_106] {strides = array<i32>} : memref<8x200xi32, #tpu.memory_space<vmem>>, vector<1x16xi32>,
        %get3A_108 = vector.shape_cast %get3A_107 : vector<1x16xi32> to vector<16xi32>
        %dma_start3A_109 = arith.constant 96 : i32
        %dma_start3A_110 = arith.constant 0 : i32
        %dma_start3A_111 = tpu.memref_slice %arg8[%dma_start3A_109, %dma_start3A_110] : memref<400x128xf32, #tpu.memory_space<vmem>> -> memref<16x128xf32, #tpu.memory_space<vmem>>
        %dma_start3A_112 = arith.constant 0 : i32
        %dma_start3A_113 = arith.constant 0 : i32
        %dma_start3A_114 = tpu.memref_slice %arg3[%dma_start3A_112, %dma_start3A_113] : memref<100000x128xf32, #tpu.memory_space<hbm>> -> memref<100000x128xf32, #tpu.memory_space<hbm>>
        tpu.enqueue_indirect_dma source(%dma_start3A_114 : memref<100000x128xf32, #tpu.memory_space<hbm>>) target(%dma_start3A_111 : memref<16x128xf32, #tpu.memory_space<vmem>>) offsets(%get3A_108 : vector<16xi32>) semaphore(%arg10 : memref<!tpu.dma_semaphore, #tpu.memory_space<semaphore_mem>>)
        %mul3A_115 = arith.constant 2 : i32
        %mul3A_116 = arith.muli %mul3A_115, %scan3A_18 : i32
        %add3A_117 = arith.constant 0 : i32
        %add3A_118 = arith.addi %mul3A_116, %add3A_117 : i32
        %get3A_119 = arith.index_cast %add3A_118 : i32 to index
        %get3A_120 = arith.constant 112 : index
        %get3A_121 = tpu.vector_load %arg7[%get3A_119, %get3A_120] {strides = array<i32>} : memref<8x200xi32, #tpu.memory_space<vmem>>, vector<1x16xi32>,
        %get3A_122 = vector.shape_cast %get3A_121 : vector<1x16xi32> to vector<16xi32>
        %dma_start3A_123 = arith.constant 112 : i32
        %dma_start3A_124 = arith.constant 0 : i32
        %dma_start3A_125 = tpu.memref_slice %arg8[%dma_start3A_123, %dma_start3A_124] : memref<400x128xf32, #tpu.memory_space<vmem>> -> memref<16x128xf32, #tpu.memory_space<vmem>>
        %dma_start3A_126 = arith.constant 0 : i32
        %dma_start3A_127 = arith.constant 0 : i32
        %dma_start3A_128 = tpu.memref_slice %arg3[%dma_start3A_126, %dma_start3A_127] : memref<100000x128xf32, #tpu.memory_space<hbm>> -> memref<100000x128xf32, #tpu.memory_space<hbm>>
        tpu.enqueue_indirect_dma source(%dma_start3A_128 : memref<100000x128xf32, #tpu.memory_space<hbm>>) target(%dma_start3A_125 : memref<16x128xf32, #tpu.memory_space<vmem>>) offsets(%get3A_122 : vector<16xi32>) semaphore(%arg10 : memref<!tpu.dma_semaphore, #tpu.memory_space<semaphore_mem>>)
        %mul3A_129 = arith.constant 2 : i32
        %mul3A_130 = arith.muli %mul3A_129, %scan3A_18 : i32
        %add3A_131 = arith.constant 0 : i32
        %add3A_132 = arith.addi %mul3A_130, %add3A_131 : i32
        %get3A_133 = arith.index_cast %add3A_132 : i32 to index
        %get3A_134 = arith.constant 128 : index
        %get3A_135 = tpu.vector_load %arg7[%get3A_133, %get3A_134] {strides = array<i32>} : memref<8x200xi32, #tpu.memory_space<vmem>>, vector<1x16xi32>,
        %get3A_136 = vector.shape_cast %get3A_135 : vector<1x16xi32> to vector<16xi32>
        %dma_start3A_137 = arith.constant 128 : i32
        %dma_start3A_138 = arith.constant 0 : i32
        %dma_start3A_139 = tpu.memref_slice %arg8[%dma_start3A_137, %dma_start3A_138] : memref<400x128xf32, #tpu.memory_space<vmem>> -> memref<16x128xf32, #tpu.memory_space<vmem>>
        %dma_start3A_140 = arith.constant 0 : i32
        %dma_start3A_141 = arith.constant 0 : i32
        %dma_start3A_142 = tpu.memref_slice %arg3[%dma_start3A_140, %dma_start3A_141] : memref<100000x128xf32, #tpu.memory_space<hbm>> -> memref<100000x128xf32, #tpu.memory_space<hbm>>
        tpu.enqueue_indirect_dma source(%dma_start3A_142 : memref<100000x128xf32, #tpu.memory_space<hbm>>) target(%dma_start3A_139 : memref<16x128xf32, #tpu.memory_space<vmem>>) offsets(%get3A_136 : vector<16xi32>) semaphore(%arg10 : memref<!tpu.dma_semaphore, #tpu.memory_space<semaphore_mem>>)
        %mul3A_143 = arith.constant 2 : i32
        %mul3A_144 = arith.muli %mul3A_143, %scan3A_18 : i32
        %add3A_145 = arith.constant 0 : i32
        %add3A_146 = arith.addi %mul3A_144, %add3A_145 : i32
        %get3A_147 = arith.index_cast %add3A_146 : i32 to index
        %get3A_148 = arith.constant 144 : index
        %get3A_149 = tpu.vector_load %arg7[%get3A_147, %get3A_148] {strides = array<i32>} : memref<8x200xi32, #tpu.memory_space<vmem>>, vector<1x16xi32>,
        %get3A_150 = vector.shape_cast %get3A_149 : vector<1x16xi32> to vector<16xi32>
        %dma_start3A_151 = arith.constant 144 : i32
        %dma_start3A_152 = arith.constant 0 : i32
        %dma_start3A_153 = tpu.memref_slice %arg8[%dma_start3A_151, %dma_start3A_152] : memref<400x128xf32, #tpu.memory_space<vmem>> -> memref<16x128xf32, #tpu.memory_space<vmem>>
        %dma_start3A_154 = arith.constant 0 : i32
        %dma_start3A_155 = arith.constant 0 : i32
        %dma_start3A_156 = tpu.memref_slice %arg3[%dma_start3A_154, %dma_start3A_155] : memref<100000x128xf32, #tpu.memory_space<hbm>> -> memref<100000x128xf32, #tpu.memory_space<hbm>>
        tpu.enqueue_indirect_dma source(%dma_start3A_156 : memref<100000x128xf32, #tpu.memory_space<hbm>>) target(%dma_start3A_153 : memref<16x128xf32, #tpu.memory_space<vmem>>) offsets(%get3A_150 : vector<16xi32>) semaphore(%arg10 : memref<!tpu.dma_semaphore, #tpu.memory_space<semaphore_mem>>)
        %mul3A_157 = arith.constant 2 : i32
        %mul3A_158 = arith.muli %mul3A_157, %scan3A_18 : i32
        %add3A_159 = arith.constant 0 : i32
        %add3A_160 = arith.addi %mul3A_158, %add3A_159 : i32
        %get3A_161 = arith.index_cast %add3A_160 : i32 to index
        %get3A_162 = arith.constant 160 : index
        %get3A_163 = tpu.vector_load %arg7[%get3A_161, %get3A_162] {strides = array<i32>} : memref<8x200xi32, #tpu.memory_space<vmem>>, vector<1x16xi32>,
        %get3A_164 = vector.shape_cast %get3A_163 : vector<1x16xi32> to vector<16xi32>
        %dma_start3A_165 = arith.constant 160 : i32
        %dma_start3A_166 = arith.constant 0 : i32
        %dma_start3A_167 = tpu.memref_slice %arg8[%dma_start3A_165, %dma_start3A_166] : memref<400x128xf32, #tpu.memory_space<vmem>> -> memref<16x128xf32, #tpu.memory_space<vmem>>
        %dma_start3A_168 = arith.constant 0 : i32
        %dma_start3A_169 = arith.constant 0 : i32
        %dma_start3A_170 = tpu.memref_slice %arg3[%dma_start3A_168, %dma_start3A_169] : memref<100000x128xf32, #tpu.memory_space<hbm>> -> memref<100000x128xf32, #tpu.memory_space<hbm>>
        tpu.enqueue_indirect_dma source(%dma_start3A_170 : memref<100000x128xf32, #tpu.memory_space<hbm>>) target(%dma_start3A_167 : memref<16x128xf32, #tpu.memory_space<vmem>>) offsets(%get3A_164 : vector<16xi32>) semaphore(%arg10 : memref<!tpu.dma_semaphore, #tpu.memory_space<semaphore_mem>>)
        %mul3A_171 = arith.constant 2 : i32
        %mul3A_172 = arith.muli %mul3A_171, %scan3A_18 : i32
        %add3A_173 = arith.constant 0 : i32
        %add3A_174 = arith.addi %mul3A_172, %add3A_173 : i32
        %get3A_175 = arith.index_cast %add3A_174 : i32 to index
        %get3A_176 = arith.constant 176 : index
        %get3A_177 = tpu.vector_load %arg7[%get3A_175, %get3A_176] {strides = array<i32>} : memref<8x200xi32, #tpu.memory_space<vmem>>, vector<1x16xi32>,
        %get3A_178 = vector.shape_cast %get3A_177 : vector<1x16xi32> to vector<16xi32>
        %dma_start3A_179 = arith.constant 176 : i32
        %dma_start3A_180 = arith.constant 0 : i32
        %dma_start3A_181 = tpu.memref_slice %arg8[%dma_start3A_179, %dma_start3A_180] : memref<400x128xf32, #tpu.memory_space<vmem>> -> memref<16x128xf32, #tpu.memory_space<vmem>>
        %dma_start3A_182 = arith.constant 0 : i32
        %dma_start3A_183 = arith.constant 0 : i32
        %dma_start3A_184 = tpu.memref_slice %arg3[%dma_start3A_182, %dma_start3A_183] : memref<100000x128xf32, #tpu.memory_space<hbm>> -> memref<100000x128xf32, #tpu.memory_space<hbm>>
        tpu.enqueue_indirect_dma source(%dma_start3A_184 : memref<100000x128xf32, #tpu.memory_space<hbm>>) target(%dma_start3A_181 : memref<16x128xf32, #tpu.memory_space<vmem>>) offsets(%get3A_178 : vector<16xi32>) semaphore(%arg10 : memref<!tpu.dma_semaphore, #tpu.memory_space<semaphore_mem>>)
        %mul3A_185 = arith.constant 2 : i32
        %mul3A_186 = arith.muli %mul3A_185, %scan3A_18 : i32
        %add3A_187 = arith.constant 0 : i32
        %add3A_188 = arith.addi %mul3A_186, %add3A_187 : i32
        %get3A_189 = arith.index_cast %add3A_188 : i32 to index
        %get3A_190 = arith.constant 184 : index
        %get3A_191 = tpu.vector_load %arg7[%get3A_189, %get3A_190] {strides = array<i32>} : memref<8x200xi32, #tpu.memory_space<vmem>>, vector<1x16xi32>,
        %get3A_192 = vector.shape_cast %get3A_191 : vector<1x16xi32> to vector<16xi32>
        %dma_start3A_193 = arith.constant 184 : i32
        %dma_start3A_194 = arith.constant 0 : i32
        %dma_start3A_195 = tpu.memref_slice %arg8[%dma_start3A_193, %dma_start3A_194] : memref<400x128xf32, #tpu.memory_space<vmem>> -> memref<16x128xf32, #tpu.memory_space<vmem>>
        %dma_start3A_196 = arith.constant 0 : i32
        %dma_start3A_197 = arith.constant 0 : i32
        %dma_start3A_198 = tpu.memref_slice %arg3[%dma_start3A_196, %dma_start3A_197] : memref<100000x128xf32, #tpu.memory_space<hbm>> -> memref<100000x128xf32, #tpu.memory_space<hbm>>
        tpu.enqueue_indirect_dma source(%dma_start3A_198 : memref<100000x128xf32, #tpu.memory_space<hbm>>) target(%dma_start3A_195 : memref<16x128xf32, #tpu.memory_space<vmem>>) offsets(%get3A_192 : vector<16xi32>) semaphore(%arg10 : memref<!tpu.dma_semaphore, #tpu.memory_space<semaphore_mem>>)
        %mul3A_199 = arith.constant 2 : i32
        %mul3A_200 = arith.muli %mul3A_199, %scan3A_18 : i32
        %add3A_201 = arith.constant 1 : i32
        %add3A_202 = arith.addi %mul3A_200, %add3A_201 : i32
        %get3A_203 = arith.index_cast %add3A_202 : i32 to index
        %get3A_204 = arith.constant 0 : index
        %get3A_205 = tpu.vector_load %arg7[%get3A_203, %get3A_204] {strides = array<i32>} : memref<8x200xi32, #tpu.memory_space<vmem>>, vector<1x16xi32>,
        %get3A_206 = vector.shape_cast %get3A_205 : vector<1x16xi32> to vector<16xi32>
        %dma_start3A_207 = arith.constant 200 : i32
        %dma_start3A_208 = arith.constant 0 : i32
        %dma_start3A_209 = tpu.memref_slice %arg8[%dma_start3A_207, %dma_start3A_208] : memref<400x128xf32, #tpu.memory_space<vmem>> -> memref<16x128xf32, #tpu.memory_space<vmem>>
        %dma_start3A_210 = arith.constant 0 : i32
        %dma_start3A_211 = arith.constant 0 : i32
        %dma_start3A_212 = tpu.memref_slice %arg3[%dma_start3A_210, %dma_start3A_211] : memref<100000x128xf32, #tpu.memory_space<hbm>> -> memref<100000x128xf32, #tpu.memory_space<hbm>>
        tpu.enqueue_indirect_dma source(%dma_start3A_212 : memref<100000x128xf32, #tpu.memory_space<hbm>>) target(%dma_start3A_209 : memref<16x128xf32, #tpu.memory_space<vmem>>) offsets(%get3A_206 : vector<16xi32>) semaphore(%arg10 : memref<!tpu.dma_semaphore, #tpu.memory_space<semaphore_mem>>)
        %mul3A_213 = arith.constant 2 : i32
        %mul3A_214 = arith.muli %mul3A_213, %scan3A_18 : i32
        %add3A_215 = arith.constant 1 : i32
        %add3A_216 = arith.addi %mul3A_214, %add3A_215 : i32
        %get3A_217 = arith.index_cast %add3A_216 : i32 to index
        %get3A_218 = arith.constant 16 : index
        %get3A_219 = tpu.vector_load %arg7[%get3A_217, %get3A_218] {strides = array<i32>} : memref<8x200xi32, #tpu.memory_space<vmem>>, vector<1x16xi32>,
        %get3A_220 = vector.shape_cast %get3A_219 : vector<1x16xi32> to vector<16xi32>
        %dma_start3A_221 = arith.constant 216 : i32
        %dma_start3A_222 = arith.constant 0 : i32
        %dma_start3A_223 = tpu.memref_slice %arg8[%dma_start3A_221, %dma_start3A_222] : memref<400x128xf32, #tpu.memory_space<vmem>> -> memref<16x128xf32, #tpu.memory_space<vmem>>
        %dma_start3A_224 = arith.constant 0 : i32
        %dma_start3A_225 = arith.constant 0 : i32
        %dma_start3A_226 = tpu.memref_slice %arg3[%dma_start3A_224, %dma_start3A_225] : memref<100000x128xf32, #tpu.memory_space<hbm>> -> memref<100000x128xf32, #tpu.memory_space<hbm>>
        tpu.enqueue_indirect_dma source(%dma_start3A_226 : memref<100000x128xf32, #tpu.memory_space<hbm>>) target(%dma_start3A_223 : memref<16x128xf32, #tpu.memory_space<vmem>>) offsets(%get3A_220 : vector<16xi32>) semaphore(%arg10 : memref<!tpu.dma_semaphore, #tpu.memory_space<semaphore_mem>>)
        %mul3A_227 = arith.constant 2 : i32
        %mul3A_228 = arith.muli %mul3A_227, %scan3A_18 : i32
        %add3A_229 = arith.constant 1 : i32
        %add3A_230 = arith.addi %mul3A_228, %add3A_229 : i32
        %get3A_231 = arith.index_cast %add3A_230 : i32 to index
        %get3A_232 = arith.constant 32 : index
        %get3A_233 = tpu.vector_load %arg7[%get3A_231, %get3A_232] {strides = array<i32>} : memref<8x200xi32, #tpu.memory_space<vmem>>, vector<1x16xi32>,
        %get3A_234 = vector.shape_cast %get3A_233 : vector<1x16xi32> to vector<16xi32>
        %dma_start3A_235 = arith.constant 232 : i32
        %dma_start3A_236 = arith.constant 0 : i32
        %dma_start3A_237 = tpu.memref_slice %arg8[%dma_start3A_235, %dma_start3A_236] : memref<400x128xf32, #tpu.memory_space<vmem>> -> memref<16x128xf32, #tpu.memory_space<vmem>>
        %dma_start3A_238 = arith.constant 0 : i32
        %dma_start3A_239 = arith.constant 0 : i32
        %dma_start3A_240 = tpu.memref_slice %arg3[%dma_start3A_238, %dma_start3A_239] : memref<100000x128xf32, #tpu.memory_space<hbm>> -> memref<100000x128xf32, #tpu.memory_space<hbm>>
        tpu.enqueue_indirect_dma source(%dma_start3A_240 : memref<100000x128xf32, #tpu.memory_space<hbm>>) target(%dma_start3A_237 : memref<16x128xf32, #tpu.memory_space<vmem>>) offsets(%get3A_234 : vector<16xi32>) semaphore(%arg10 : memref<!tpu.dma_semaphore, #tpu.memory_space<semaphore_mem>>)
        %mul3A_241 = arith.constant 2 : i32
        %mul3A_242 = arith.muli %mul3A_241, %scan3A_18 : i32
        %add3A_243 = arith.constant 1 : i32
        %add3A_244 = arith.addi %mul3A_242, %add3A_243 : i32
        %get3A_245 = arith.index_cast %add3A_244 : i32 to index
        %get3A_246 = arith.constant 48 : index
        %get3A_247 = tpu.vector_load %arg7[%get3A_245, %get3A_246] {strides = array<i32>} : memref<8x200xi32, #tpu.memory_space<vmem>>, vector<1x16xi32>,
        %get3A_248 = vector.shape_cast %get3A_247 : vector<1x16xi32> to vector<16xi32>
        %dma_start3A_249 = arith.constant 248 : i32
        %dma_start3A_250 = arith.constant 0 : i32
        %dma_start3A_251 = tpu.memref_slice %arg8[%dma_start3A_249, %dma_start3A_250] : memref<400x128xf32, #tpu.memory_space<vmem>> -> memref<16x128xf32, #tpu.memory_space<vmem>>
        %dma_start3A_252 = arith.constant 0 : i32
        %dma_start3A_253 = arith.constant 0 : i32
        %dma_start3A_254 = tpu.memref_slice %arg3[%dma_start3A_252, %dma_start3A_253] : memref<100000x128xf32, #tpu.memory_space<hbm>> -> memref<100000x128xf32, #tpu.memory_space<hbm>>
        tpu.enqueue_indirect_dma source(%dma_start3A_254 : memref<100000x128xf32, #tpu.memory_space<hbm>>) target(%dma_start3A_251 : memref<16x128xf32, #tpu.memory_space<vmem>>) offsets(%get3A_248 : vector<16xi32>) semaphore(%arg10 : memref<!tpu.dma_semaphore, #tpu.memory_space<semaphore_mem>>)
        %mul3A_255 = arith.constant 2 : i32
        %mul3A_256 = arith.muli %mul3A_255, %scan3A_18 : i32
        %add3A_257 = arith.constant 1 : i32
        %add3A_258 = arith.addi %mul3A_256, %add3A_257 : i32
        %get3A_259 = arith.index_cast %add3A_258 : i32 to index
        %get3A_260 = arith.constant 64 : index
        %get3A_261 = tpu.vector_load %arg7[%get3A_259, %get3A_260] {strides = array<i32>} : memref<8x200xi32, #tpu.memory_space<vmem>>, vector<1x16xi32>,
        %get3A_262 = vector.shape_cast %get3A_261 : vector<1x16xi32> to vector<16xi32>
        %dma_start3A_263 = arith.constant 264 : i32
        %dma_start3A_264 = arith.constant 0 : i32
        %dma_start3A_265 = tpu.memref_slice %arg8[%dma_start3A_263, %dma_start3A_264] : memref<400x128xf32, #tpu.memory_space<vmem>> -> memref<16x128xf32, #tpu.memory_space<vmem>>
        %dma_start3A_266 = arith.constant 0 : i32
        %dma_start3A_267 = arith.constant 0 : i32
        %dma_start3A_268 = tpu.memref_slice %arg3[%dma_start3A_266, %dma_start3A_267] : memref<100000x128xf32, #tpu.memory_space<hbm>> -> memref<100000x128xf32, #tpu.memory_space<hbm>>
        tpu.enqueue_indirect_dma source(%dma_start3A_268 : memref<100000x128xf32, #tpu.memory_space<hbm>>) target(%dma_start3A_265 : memref<16x128xf32, #tpu.memory_space<vmem>>) offsets(%get3A_262 : vector<16xi32>) semaphore(%arg10 : memref<!tpu.dma_semaphore, #tpu.memory_space<semaphore_mem>>)
        %mul3A_269 = arith.constant 2 : i32
        %mul3A_270 = arith.muli %mul3A_269, %scan3A_18 : i32
        %add3A_271 = arith.constant 1 : i32
        %add3A_272 = arith.addi %mul3A_270, %add3A_271 : i32
        %get3A_273 = arith.index_cast %add3A_272 : i32 to index
        %get3A_274 = arith.constant 80 : index
        %get3A_275 = tpu.vector_load %arg7[%get3A_273, %get3A_274] {strides = array<i32>} : memref<8x200xi32, #tpu.memory_space<vmem>>, vector<1x16xi32>,
        %get3A_276 = vector.shape_cast %get3A_275 : vector<1x16xi32> to vector<16xi32>
        %dma_start3A_277 = arith.constant 280 : i32
        %dma_start3A_278 = arith.constant 0 : i32
        %dma_start3A_279 = tpu.memref_slice %arg8[%dma_start3A_277, %dma_start3A_278] : memref<400x128xf32, #tpu.memory_space<vmem>> -> memref<16x128xf32, #tpu.memory_space<vmem>>
        %dma_start3A_280 = arith.constant 0 : i32
        %dma_start3A_281 = arith.constant 0 : i32
        %dma_start3A_282 = tpu.memref_slice %arg3[%dma_start3A_280, %dma_start3A_281] : memref<100000x128xf32, #tpu.memory_space<hbm>> -> memref<100000x128xf32, #tpu.memory_space<hbm>>
        tpu.enqueue_indirect_dma source(%dma_start3A_282 : memref<100000x128xf32, #tpu.memory_space<hbm>>) target(%dma_start3A_279 : memref<16x128xf32, #tpu.memory_space<vmem>>) offsets(%get3A_276 : vector<16xi32>) semaphore(%arg10 : memref<!tpu.dma_semaphore, #tpu.memory_space<semaphore_mem>>)
        %mul3A_283 = arith.constant 2 : i32
        %mul3A_284 = arith.muli %mul3A_283, %scan3A_18 : i32
        %add3A_285 = arith.constant 1 : i32
        %add3A_286 = arith.addi %mul3A_284, %add3A_285 : i32
        %get3A_287 = arith.index_cast %add3A_286 : i32 to index
        %get3A_288 = arith.constant 96 : index
        %get3A_289 = tpu.vector_load %arg7[%get3A_287, %get3A_288] {strides = array<i32>} : memref<8x200xi32, #tpu.memory_space<vmem>>, vector<1x16xi32>,
        %get3A_290 = vector.shape_cast %get3A_289 : vector<1x16xi32> to vector<16xi32>
        %dma_start3A_291 = arith.constant 296 : i32
        %dma_start3A_292 = arith.constant 0 : i32
        %dma_start3A_293 = tpu.memref_slice %arg8[%dma_start3A_291, %dma_start3A_292] : memref<400x128xf32, #tpu.memory_space<vmem>> -> memref<16x128xf32, #tpu.memory_space<vmem>>
        %dma_start3A_294 = arith.constant 0 : i32
        %dma_start3A_295 = arith.constant 0 : i32
        %dma_start3A_296 = tpu.memref_slice %arg3[%dma_start3A_294, %dma_start3A_295] : memref<100000x128xf32, #tpu.memory_space<hbm>> -> memref<100000x128xf32, #tpu.memory_space<hbm>>
        tpu.enqueue_indirect_dma source(%dma_start3A_296 : memref<100000x128xf32, #tpu.memory_space<hbm>>) target(%dma_start3A_293 : memref<16x128xf32, #tpu.memory_space<vmem>>) offsets(%get3A_290 : vector<16xi32>) semaphore(%arg10 : memref<!tpu.dma_semaphore, #tpu.memory_space<semaphore_mem>>)
        %mul3A_297 = arith.constant 2 : i32
        %mul3A_298 = arith.muli %mul3A_297, %scan3A_18 : i32
        %add3A_299 = arith.constant 1 : i32
        %add3A_300 = arith.addi %mul3A_298, %add3A_299 : i32
        %get3A_301 = arith.index_cast %add3A_300 : i32 to index
        %get3A_302 = arith.constant 112 : index
        %get3A_303 = tpu.vector_load %arg7[%get3A_301, %get3A_302] {strides = array<i32>} : memref<8x200xi32, #tpu.memory_space<vmem>>, vector<1x16xi32>,
        %get3A_304 = vector.shape_cast %get3A_303 : vector<1x16xi32> to vector<16xi32>
        %dma_start3A_305 = arith.constant 312 : i32
        %dma_start3A_306 = arith.constant 0 : i32
        %dma_start3A_307 = tpu.memref_slice %arg8[%dma_start3A_305, %dma_start3A_306] : memref<400x128xf32, #tpu.memory_space<vmem>> -> memref<16x128xf32, #tpu.memory_space<vmem>>
        %dma_start3A_308 = arith.constant 0 : i32
        %dma_start3A_309 = arith.constant 0 : i32
        %dma_start3A_310 = tpu.memref_slice %arg3[%dma_start3A_308, %dma_start3A_309] : memref<100000x128xf32, #tpu.memory_space<hbm>> -> memref<100000x128xf32, #tpu.memory_space<hbm>>
        tpu.enqueue_indirect_dma source(%dma_start3A_310 : memref<100000x128xf32, #tpu.memory_space<hbm>>) target(%dma_start3A_307 : memref<16x128xf32, #tpu.memory_space<vmem>>) offsets(%get3A_304 : vector<16xi32>) semaphore(%arg10 : memref<!tpu.dma_semaphore, #tpu.memory_space<semaphore_mem>>)
        %mul3A_311 = arith.constant 2 : i32
        %mul3A_312 = arith.muli %mul3A_311, %scan3A_18 : i32
        %add3A_313 = arith.constant 1 : i32
        %add3A_314 = arith.addi %mul3A_312, %add3A_313 : i32
        %get3A_315 = arith.index_cast %add3A_314 : i32 to index
        %get3A_316 = arith.constant 128 : index
        %get3A_317 = tpu.vector_load %arg7[%get3A_315, %get3A_316] {strides = array<i32>} : memref<8x200xi32, #tpu.memory_space<vmem>>, vector<1x16xi32>,
        %get3A_318 = vector.shape_cast %get3A_317 : vector<1x16xi32> to vector<16xi32>
        %dma_start3A_319 = arith.constant 328 : i32
        %dma_start3A_320 = arith.constant 0 : i32
        %dma_start3A_321 = tpu.memref_slice %arg8[%dma_start3A_319, %dma_start3A_320] : memref<400x128xf32, #tpu.memory_space<vmem>> -> memref<16x128xf32, #tpu.memory_space<vmem>>
        %dma_start3A_322 = arith.constant 0 : i32
        %dma_start3A_323 = arith.constant 0 : i32
        %dma_start3A_324 = tpu.memref_slice %arg3[%dma_start3A_322, %dma_start3A_323] : memref<100000x128xf32, #tpu.memory_space<hbm>> -> memref<100000x128xf32, #tpu.memory_space<hbm>>
        tpu.enqueue_indirect_dma source(%dma_start3A_324 : memref<100000x128xf32, #tpu.memory_space<hbm>>) target(%dma_start3A_321 : memref<16x128xf32, #tpu.memory_space<vmem>>) offsets(%get3A_318 : vector<16xi32>) semaphore(%arg10 : memref<!tpu.dma_semaphore, #tpu.memory_space<semaphore_mem>>)
        %mul3A_325 = arith.constant 2 : i32
        %mul3A_326 = arith.muli %mul3A_325, %scan3A_18 : i32
        %add3A_327 = arith.constant 1 : i32
        %add3A_328 = arith.addi %mul3A_326, %add3A_327 : i32
        %get3A_329 = arith.index_cast %add3A_328 : i32 to index
        %get3A_330 = arith.constant 144 : index
        %get3A_331 = tpu.vector_load %arg7[%get3A_329, %get3A_330] {strides = array<i32>} : memref<8x200xi32, #tpu.memory_space<vmem>>, vector<1x16xi32>,
        %get3A_332 = vector.shape_cast %get3A_331 : vector<1x16xi32> to vector<16xi32>
        %dma_start3A_333 = arith.constant 344 : i32
        %dma_start3A_334 = arith.constant 0 : i32
        %dma_start3A_335 = tpu.memref_slice %arg8[%dma_start3A_333, %dma_start3A_334] : memref<400x128xf32, #tpu.memory_space<vmem>> -> memref<16x128xf32, #tpu.memory_space<vmem>>
        %dma_start3A_336 = arith.constant 0 : i32
        %dma_start3A_337 = arith.constant 0 : i32
        %dma_start3A_338 = tpu.memref_slice %arg3[%dma_start3A_336, %dma_start3A_337] : memref<100000x128xf32, #tpu.memory_space<hbm>> -> memref<100000x128xf32, #tpu.memory_space<hbm>>
        tpu.enqueue_indirect_dma source(%dma_start3A_338 : memref<100000x128xf32, #tpu.memory_space<hbm>>) target(%dma_start3A_335 : memref<16x128xf32, #tpu.memory_space<vmem>>) offsets(%get3A_332 : vector<16xi32>) semaphore(%arg10 : memref<!tpu.dma_semaphore, #tpu.memory_space<semaphore_mem>>)
        %mul3A_339 = arith.constant 2 : i32
        %mul3A_340 = arith.muli %mul3A_339, %scan3A_18 : i32
        %add3A_341 = arith.constant 1 : i32
        %add3A_342 = arith.addi %mul3A_340, %add3A_341 : i32
        %get3A_343 = arith.index_cast %add3A_342 : i32 to index
        %get3A_344 = arith.constant 160 : index
        %get3A_345 = tpu.vector_load %arg7[%get3A_343, %get3A_344] {strides = array<i32>} : memref<8x200xi32, #tpu.memory_space<vmem>>, vector<1x16xi32>,
        %get3A_346 = vector.shape_cast %get3A_345 : vector<1x16xi32> to vector<16xi32>
        %dma_start3A_347 = arith.constant 360 : i32
        %dma_start3A_348 = arith.constant 0 : i32
        %dma_start3A_349 = tpu.memref_slice %arg8[%dma_start3A_347, %dma_start3A_348] : memref<400x128xf32, #tpu.memory_space<vmem>> -> memref<16x128xf32, #tpu.memory_space<vmem>>
        %dma_start3A_350 = arith.constant 0 : i32
        %dma_start3A_351 = arith.constant 0 : i32
        %dma_start3A_352 = tpu.memref_slice %arg3[%dma_start3A_350, %dma_start3A_351] : memref<100000x128xf32, #tpu.memory_space<hbm>> -> memref<100000x128xf32, #tpu.memory_space<hbm>>
        tpu.enqueue_indirect_dma source(%dma_start3A_352 : memref<100000x128xf32, #tpu.memory_space<hbm>>) target(%dma_start3A_349 : memref<16x128xf32, #tpu.memory_space<vmem>>) offsets(%get3A_346 : vector<16xi32>) semaphore(%arg10 : memref<!tpu.dma_semaphore, #tpu.memory_space<semaphore_mem>>)
        %mul3A_353 = arith.constant 2 : i32
        %mul3A_354 = arith.muli %mul3A_353, %scan3A_18 : i32
        %add3A_355 = arith.constant 1 : i32
        %add3A_356 = arith.addi %mul3A_354, %add3A_355 : i32
        %get3A_357 = arith.index_cast %add3A_356 : i32 to index
        %get3A_358 = arith.constant 176 : index
        %get3A_359 = tpu.vector_load %arg7[%get3A_357, %get3A_358] {strides = array<i32>} : memref<8x200xi32, #tpu.memory_space<vmem>>, vector<1x16xi32>,
        %get3A_360 = vector.shape_cast %get3A_359 : vector<1x16xi32> to vector<16xi32>
        %dma_start3A_361 = arith.constant 376 : i32
        %dma_start3A_362 = arith.constant 0 : i32
        %dma_start3A_363 = tpu.memref_slice %arg8[%dma_start3A_361, %dma_start3A_362] : memref<400x128xf32, #tpu.memory_space<vmem>> -> memref<16x128xf32, #tpu.memory_space<vmem>>
        %dma_start3A_364 = arith.constant 0 : i32
        %dma_start3A_365 = arith.constant 0 : i32
        %dma_start3A_366 = tpu.memref_slice %arg3[%dma_start3A_364, %dma_start3A_365] : memref<100000x128xf32, #tpu.memory_space<hbm>> -> memref<100000x128xf32, #tpu.memory_space<hbm>>
        tpu.enqueue_indirect_dma source(%dma_start3A_366 : memref<100000x128xf32, #tpu.memory_space<hbm>>) target(%dma_start3A_363 : memref<16x128xf32, #tpu.memory_space<vmem>>) offsets(%get3A_360 : vector<16xi32>) semaphore(%arg10 : memref<!tpu.dma_semaphore, #tpu.memory_space<semaphore_mem>>)
        %mul3A_367 = arith.constant 2 : i32
        %mul3A_368 = arith.muli %mul3A_367, %scan3A_18 : i32
        %add3A_369 = arith.constant 1 : i32
        %add3A_370 = arith.addi %mul3A_368, %add3A_369 : i32
        %get3A_371 = arith.index_cast %add3A_370 : i32 to index
        %get3A_372 = arith.constant 184 : index
        %get3A_373 = tpu.vector_load %arg7[%get3A_371, %get3A_372] {strides = array<i32>} : memref<8x200xi32, #tpu.memory_space<vmem>>, vector<1x16xi32>,
        %get3A_374 = vector.shape_cast %get3A_373 : vector<1x16xi32> to vector<16xi32>
        %dma_start3A_375 = arith.constant 384 : i32
        %dma_start3A_376 = arith.constant 0 : i32
        %dma_start3A_377 = tpu.memref_slice %arg8[%dma_start3A_375, %dma_start3A_376] : memref<400x128xf32, #tpu.memory_space<vmem>> -> memref<16x128xf32, #tpu.memory_space<vmem>>
        %dma_start3A_378 = arith.constant 0 : i32
        %dma_start3A_379 = arith.constant 0 : i32
        %dma_start3A_380 = tpu.memref_slice %arg3[%dma_start3A_378, %dma_start3A_379] : memref<100000x128xf32, #tpu.memory_space<hbm>> -> memref<100000x128xf32, #tpu.memory_space<hbm>>
        tpu.enqueue_indirect_dma source(%dma_start3A_380 : memref<100000x128xf32, #tpu.memory_space<hbm>>) target(%dma_start3A_377 : memref<16x128xf32, #tpu.memory_space<vmem>>) offsets(%get3A_374 : vector<16xi32>) semaphore(%arg10 : memref<!tpu.dma_semaphore, #tpu.memory_space<semaphore_mem>>)
        %dma_wait3A = arith.constant 0 : i32
        %dma_wait3A_381 = arith.constant 0 : i32
        %dma_wait3A_382 = tpu.memref_slice %arg8[%dma_wait3A, %dma_wait3A_381] : memref<400x128xf32, #tpu.memory_space<vmem>> -> memref<16x128xf32, #tpu.memory_space<vmem>>
        %dma_wait3A_383 = arith.constant 0 : i32
        %dma_wait3A_384 = arith.constant 0 : i32
        %dma_wait3A_385 = tpu.memref_slice %arg3[%dma_wait3A_383, %dma_wait3A_384] : memref<100000x128xf32, #tpu.memory_space<hbm>> -> memref<100000x128xf32, #tpu.memory_space<hbm>>
        tpu.wait_indirect_dma semaphore(%arg10 : memref<!tpu.dma_semaphore, #tpu.memory_space<semaphore_mem>>) src(%dma_wait3A_385 : memref<100000x128xf32, #tpu.memory_space<hbm>>) dst(%dma_wait3A_382 : memref<16x128xf32, #tpu.memory_space<vmem>>)
        %dma_wait3A_386 = arith.constant 16 : i32
        %dma_wait3A_387 = arith.constant 0 : i32
        %dma_wait3A_388 = tpu.memref_slice %arg8[%dma_wait3A_386, %dma_wait3A_387] : memref<400x128xf32, #tpu.memory_space<vmem>> -> memref<16x128xf32, #tpu.memory_space<vmem>>
        %dma_wait3A_389 = arith.constant 0 : i32
        %dma_wait3A_390 = arith.constant 0 : i32
        %dma_wait3A_391 = tpu.memref_slice %arg3[%dma_wait3A_389, %dma_wait3A_390] : memref<100000x128xf32, #tpu.memory_space<hbm>> -> memref<100000x128xf32, #tpu.memory_space<hbm>>
        tpu.wait_indirect_dma semaphore(%arg10 : memref<!tpu.dma_semaphore, #tpu.memory_space<semaphore_mem>>) src(%dma_wait3A_391 : memref<100000x128xf32, #tpu.memory_space<hbm>>) dst(%dma_wait3A_388 : memref<16x128xf32, #tpu.memory_space<vmem>>)
        %dma_wait3A_392 = arith.constant 32 : i32
        %dma_wait3A_393 = arith.constant 0 : i32
        %dma_wait3A_394 = tpu.memref_slice %arg8[%dma_wait3A_392, %dma_wait3A_393] : memref<400x128xf32, #tpu.memory_space<vmem>> -> memref<16x128xf32, #tpu.memory_space<vmem>>
        %dma_wait3A_395 = arith.constant 0 : i32
        %dma_wait3A_396 = arith.constant 0 : i32
        %dma_wait3A_397 = tpu.memref_slice %arg3[%dma_wait3A_395, %dma_wait3A_396] : memref<100000x128xf32, #tpu.memory_space<hbm>> -> memref<100000x128xf32, #tpu.memory_space<hbm>>
        tpu.wait_indirect_dma semaphore(%arg10 : memref<!tpu.dma_semaphore, #tpu.memory_space<semaphore_mem>>) src(%dma_wait3A_397 : memref<100000x128xf32, #tpu.memory_space<hbm>>) dst(%dma_wait3A_394 : memref<16x128xf32, #tpu.memory_space<vmem>>)
        %dma_wait3A_398 = arith.constant 48 : i32
        %dma_wait3A_399 = arith.constant 0 : i32
        %dma_wait3A_400 = tpu.memref_slice %arg8[%dma_wait3A_398, %dma_wait3A_399] : memref<400x128xf32, #tpu.memory_space<vmem>> -> memref<16x128xf32, #tpu.memory_space<vmem>>
        %dma_wait3A_401 = arith.constant 0 : i32
        %dma_wait3A_402 = arith.constant 0 : i32
        %dma_wait3A_403 = tpu.memref_slice %arg3[%dma_wait3A_401, %dma_wait3A_402] : memref<100000x128xf32, #tpu.memory_space<hbm>> -> memref<100000x128xf32, #tpu.memory_space<hbm>>
        tpu.wait_indirect_dma semaphore(%arg10 : memref<!tpu.dma_semaphore, #tpu.memory_space<semaphore_mem>>) src(%dma_wait3A_403 : memref<100000x128xf32, #tpu.memory_space<hbm>>) dst(%dma_wait3A_400 : memref<16x128xf32, #tpu.memory_space<vmem>>)
        %dma_wait3A_404 = arith.constant 64 : i32
        %dma_wait3A_405 = arith.constant 0 : i32
        %dma_wait3A_406 = tpu.memref_slice %arg8[%dma_wait3A_404, %dma_wait3A_405] : memref<400x128xf32, #tpu.memory_space<vmem>> -> memref<16x128xf32, #tpu.memory_space<vmem>>
        %dma_wait3A_407 = arith.constant 0 : i32
        %dma_wait3A_408 = arith.constant 0 : i32
        %dma_wait3A_409 = tpu.memref_slice %arg3[%dma_wait3A_407, %dma_wait3A_408] : memref<100000x128xf32, #tpu.memory_space<hbm>> -> memref<100000x128xf32, #tpu.memory_space<hbm>>
        tpu.wait_indirect_dma semaphore(%arg10 : memref<!tpu.dma_semaphore, #tpu.memory_space<semaphore_mem>>) src(%dma_wait3A_409 : memref<100000x128xf32, #tpu.memory_space<hbm>>) dst(%dma_wait3A_406 : memref<16x128xf32, #tpu.memory_space<vmem>>)
        %dma_wait3A_410 = arith.constant 80 : i32
        %dma_wait3A_411 = arith.constant 0 : i32
        %dma_wait3A_412 = tpu.memref_slice %arg8[%dma_wait3A_410, %dma_wait3A_411] : memref<400x128xf32, #tpu.memory_space<vmem>> -> memref<16x128xf32, #tpu.memory_space<vmem>>
        %dma_wait3A_413 = arith.constant 0 : i32
        %dma_wait3A_414 = arith.constant 0 : i32
        %dma_wait3A_415 = tpu.memref_slice %arg3[%dma_wait3A_413, %dma_wait3A_414] : memref<100000x128xf32, #tpu.memory_space<hbm>> -> memref<100000x128xf32, #tpu.memory_space<hbm>>
        tpu.wait_indirect_dma semaphore(%arg10 : memref<!tpu.dma_semaphore, #tpu.memory_space<semaphore_mem>>) src(%dma_wait3A_415 : memref<100000x128xf32, #tpu.memory_space<hbm>>) dst(%dma_wait3A_412 : memref<16x128xf32, #tpu.memory_space<vmem>>)
        %dma_wait3A_416 = arith.constant 96 : i32
        %dma_wait3A_417 = arith.constant 0 : i32
        %dma_wait3A_418 = tpu.memref_slice %arg8[%dma_wait3A_416, %dma_wait3A_417] : memref<400x128xf32, #tpu.memory_space<vmem>> -> memref<16x128xf32, #tpu.memory_space<vmem>>
        %dma_wait3A_419 = arith.constant 0 : i32
        %dma_wait3A_420 = arith.constant 0 : i32
        %dma_wait3A_421 = tpu.memref_slice %arg3[%dma_wait3A_419, %dma_wait3A_420] : memref<100000x128xf32, #tpu.memory_space<hbm>> -> memref<100000x128xf32, #tpu.memory_space<hbm>>
        tpu.wait_indirect_dma semaphore(%arg10 : memref<!tpu.dma_semaphore, #tpu.memory_space<semaphore_mem>>) src(%dma_wait3A_421 : memref<100000x128xf32, #tpu.memory_space<hbm>>) dst(%dma_wait3A_418 : memref<16x128xf32, #tpu.memory_space<vmem>>)
        %dma_wait3A_422 = arith.constant 112 : i32
        %dma_wait3A_423 = arith.constant 0 : i32
        %dma_wait3A_424 = tpu.memref_slice %arg8[%dma_wait3A_422, %dma_wait3A_423] : memref<400x128xf32, #tpu.memory_space<vmem>> -> memref<16x128xf32, #tpu.memory_space<vmem>>
        %dma_wait3A_425 = arith.constant 0 : i32
        %dma_wait3A_426 = arith.constant 0 : i32
        %dma_wait3A_427 = tpu.memref_slice %arg3[%dma_wait3A_425, %dma_wait3A_426] : memref<100000x128xf32, #tpu.memory_space<hbm>> -> memref<100000x128xf32, #tpu.memory_space<hbm>>
        tpu.wait_indirect_dma semaphore(%arg10 : memref<!tpu.dma_semaphore, #tpu.memory_space<semaphore_mem>>) src(%dma_wait3A_427 : memref<100000x128xf32, #tpu.memory_space<hbm>>) dst(%dma_wait3A_424 : memref<16x128xf32, #tpu.memory_space<vmem>>)
        %dma_wait3A_428 = arith.constant 128 : i32
        %dma_wait3A_429 = arith.constant 0 : i32
        %dma_wait3A_430 = tpu.memref_slice %arg8[%dma_wait3A_428, %dma_wait3A_429] : memref<400x128xf32, #tpu.memory_space<vmem>> -> memref<16x128xf32, #tpu.memory_space<vmem>>
        %dma_wait3A_431 = arith.constant 0 : i32
        %dma_wait3A_432 = arith.constant 0 : i32
        %dma_wait3A_433 = tpu.memref_slice %arg3[%dma_wait3A_431, %dma_wait3A_432] : memref<100000x128xf32, #tpu.memory_space<hbm>> -> memref<100000x128xf32, #tpu.memory_space<hbm>>
        tpu.wait_indirect_dma semaphore(%arg10 : memref<!tpu.dma_semaphore, #tpu.memory_space<semaphore_mem>>) src(%dma_wait3A_433 : memref<100000x128xf32, #tpu.memory_space<hbm>>) dst(%dma_wait3A_430 : memref<16x128xf32, #tpu.memory_space<vmem>>)
        %dma_wait3A_434 = arith.constant 144 : i32
        %dma_wait3A_435 = arith.constant 0 : i32
        %dma_wait3A_436 = tpu.memref_slice %arg8[%dma_wait3A_434, %dma_wait3A_435] : memref<400x128xf32, #tpu.memory_space<vmem>> -> memref<16x128xf32, #tpu.memory_space<vmem>>
        %dma_wait3A_437 = arith.constant 0 : i32
        %dma_wait3A_438 = arith.constant 0 : i32
        %dma_wait3A_439 = tpu.memref_slice %arg3[%dma_wait3A_437, %dma_wait3A_438] : memref<100000x128xf32, #tpu.memory_space<hbm>> -> memref<100000x128xf32, #tpu.memory_space<hbm>>
        tpu.wait_indirect_dma semaphore(%arg10 : memref<!tpu.dma_semaphore, #tpu.memory_space<semaphore_mem>>) src(%dma_wait3A_439 : memref<100000x128xf32, #tpu.memory_space<hbm>>) dst(%dma_wait3A_436 : memref<16x128xf32, #tpu.memory_space<vmem>>)
        %dma_wait3A_440 = arith.constant 160 : i32
        %dma_wait3A_441 = arith.constant 0 : i32
        %dma_wait3A_442 = tpu.memref_slice %arg8[%dma_wait3A_440, %dma_wait3A_441] : memref<400x128xf32, #tpu.memory_space<vmem>> -> memref<16x128xf32, #tpu.memory_space<vmem>>
        %dma_wait3A_443 = arith.constant 0 : i32
        %dma_wait3A_444 = arith.constant 0 : i32
        %dma_wait3A_445 = tpu.memref_slice %arg3[%dma_wait3A_443, %dma_wait3A_444] : memref<100000x128xf32, #tpu.memory_space<hbm>> -> memref<100000x128xf32, #tpu.memory_space<hbm>>
        tpu.wait_indirect_dma semaphore(%arg10 : memref<!tpu.dma_semaphore, #tpu.memory_space<semaphore_mem>>) src(%dma_wait3A_445 : memref<100000x128xf32, #tpu.memory_space<hbm>>) dst(%dma_wait3A_442 : memref<16x128xf32, #tpu.memory_space<vmem>>)
        %dma_wait3A_446 = arith.constant 176 : i32
        %dma_wait3A_447 = arith.constant 0 : i32
        %dma_wait3A_448 = tpu.memref_slice %arg8[%dma_wait3A_446, %dma_wait3A_447] : memref<400x128xf32, #tpu.memory_space<vmem>> -> memref<16x128xf32, #tpu.memory_space<vmem>>
        %dma_wait3A_449 = arith.constant 0 : i32
        %dma_wait3A_450 = arith.constant 0 : i32
        %dma_wait3A_451 = tpu.memref_slice %arg3[%dma_wait3A_449, %dma_wait3A_450] : memref<100000x128xf32, #tpu.memory_space<hbm>> -> memref<100000x128xf32, #tpu.memory_space<hbm>>
        tpu.wait_indirect_dma semaphore(%arg10 : memref<!tpu.dma_semaphore, #tpu.memory_space<semaphore_mem>>) src(%dma_wait3A_451 : memref<100000x128xf32, #tpu.memory_space<hbm>>) dst(%dma_wait3A_448 : memref<16x128xf32, #tpu.memory_space<vmem>>)
        %dma_wait3A_452 = arith.constant 184 : i32
        %dma_wait3A_453 = arith.constant 0 : i32
        %dma_wait3A_454 = tpu.memref_slice %arg8[%dma_wait3A_452, %dma_wait3A_453] : memref<400x128xf32, #tpu.memory_space<vmem>> -> memref<16x128xf32, #tpu.memory_space<vmem>>
        %dma_wait3A_455 = arith.constant 0 : i32
        %dma_wait3A_456 = arith.constant 0 : i32
        %dma_wait3A_457 = tpu.memref_slice %arg3[%dma_wait3A_455, %dma_wait3A_456] : memref<100000x128xf32, #tpu.memory_space<hbm>> -> memref<100000x128xf32, #tpu.memory_space<hbm>>
        tpu.wait_indirect_dma semaphore(%arg10 : memref<!tpu.dma_semaphore, #tpu.memory_space<semaphore_mem>>) src(%dma_wait3A_457 : memref<100000x128xf32, #tpu.memory_space<hbm>>) dst(%dma_wait3A_454 : memref<16x128xf32, #tpu.memory_space<vmem>>)
        %dma_wait3A_458 = arith.constant 200 : i32
        %dma_wait3A_459 = arith.constant 0 : i32
        %dma_wait3A_460 = tpu.memref_slice %arg8[%dma_wait3A_458, %dma_wait3A_459] : memref<400x128xf32, #tpu.memory_space<vmem>> -> memref<16x128xf32, #tpu.memory_space<vmem>>
        %dma_wait3A_461 = arith.constant 0 : i32
        %dma_wait3A_462 = arith.constant 0 : i32
        %dma_wait3A_463 = tpu.memref_slice %arg3[%dma_wait3A_461, %dma_wait3A_462] : memref<100000x128xf32, #tpu.memory_space<hbm>> -> memref<100000x128xf32, #tpu.memory_space<hbm>>
        tpu.wait_indirect_dma semaphore(%arg10 : memref<!tpu.dma_semaphore, #tpu.memory_space<semaphore_mem>>) src(%dma_wait3A_463 : memref<100000x128xf32, #tpu.memory_space<hbm>>) dst(%dma_wait3A_460 : memref<16x128xf32, #tpu.memory_space<vmem>>)
        %dma_wait3A_464 = arith.constant 216 : i32
        %dma_wait3A_465 = arith.constant 0 : i32
        %dma_wait3A_466 = tpu.memref_slice %arg8[%dma_wait3A_464, %dma_wait3A_465] : memref<400x128xf32, #tpu.memory_space<vmem>> -> memref<16x128xf32, #tpu.memory_space<vmem>>
        %dma_wait3A_467 = arith.constant 0 : i32
        %dma_wait3A_468 = arith.constant 0 : i32
        %dma_wait3A_469 = tpu.memref_slice %arg3[%dma_wait3A_467, %dma_wait3A_468] : memref<100000x128xf32, #tpu.memory_space<hbm>> -> memref<100000x128xf32, #tpu.memory_space<hbm>>
        tpu.wait_indirect_dma semaphore(%arg10 : memref<!tpu.dma_semaphore, #tpu.memory_space<semaphore_mem>>) src(%dma_wait3A_469 : memref<100000x128xf32, #tpu.memory_space<hbm>>) dst(%dma_wait3A_466 : memref<16x128xf32, #tpu.memory_space<vmem>>)
        %dma_wait3A_470 = arith.constant 232 : i32
        %dma_wait3A_471 = arith.constant 0 : i32
        %dma_wait3A_472 = tpu.memref_slice %arg8[%dma_wait3A_470, %dma_wait3A_471] : memref<400x128xf32, #tpu.memory_space<vmem>> -> memref<16x128xf32, #tpu.memory_space<vmem>>
        %dma_wait3A_473 = arith.constant 0 : i32
        %dma_wait3A_474 = arith.constant 0 : i32
        %dma_wait3A_475 = tpu.memref_slice %arg3[%dma_wait3A_473, %dma_wait3A_474] : memref<100000x128xf32, #tpu.memory_space<hbm>> -> memref<100000x128xf32, #tpu.memory_space<hbm>>
        tpu.wait_indirect_dma semaphore(%arg10 : memref<!tpu.dma_semaphore, #tpu.memory_space<semaphore_mem>>) src(%dma_wait3A_475 : memref<100000x128xf32, #tpu.memory_space<hbm>>) dst(%dma_wait3A_472 : memref<16x128xf32, #tpu.memory_space<vmem>>)
        %dma_wait3A_476 = arith.constant 248 : i32
        %dma_wait3A_477 = arith.constant 0 : i32
        %dma_wait3A_478 = tpu.memref_slice %arg8[%dma_wait3A_476, %dma_wait3A_477] : memref<400x128xf32, #tpu.memory_space<vmem>> -> memref<16x128xf32, #tpu.memory_space<vmem>>
        %dma_wait3A_479 = arith.constant 0 : i32
        %dma_wait3A_480 = arith.constant 0 : i32
        %dma_wait3A_481 = tpu.memref_slice %arg3[%dma_wait3A_479, %dma_wait3A_480] : memref<100000x128xf32, #tpu.memory_space<hbm>> -> memref<100000x128xf32, #tpu.memory_space<hbm>>
        tpu.wait_indirect_dma semaphore(%arg10 : memref<!tpu.dma_semaphore, #tpu.memory_space<semaphore_mem>>) src(%dma_wait3A_481 : memref<100000x128xf32, #tpu.memory_space<hbm>>) dst(%dma_wait3A_478 : memref<16x128xf32, #tpu.memory_space<vmem>>)
        %dma_wait3A_482 = arith.constant 264 : i32
        %dma_wait3A_483 = arith.constant 0 : i32
        %dma_wait3A_484 = tpu.memref_slice %arg8[%dma_wait3A_482, %dma_wait3A_483] : memref<400x128xf32, #tpu.memory_space<vmem>> -> memref<16x128xf32, #tpu.memory_space<vmem>>
        %dma_wait3A_485 = arith.constant 0 : i32
        %dma_wait3A_486 = arith.constant 0 : i32
        %dma_wait3A_487 = tpu.memref_slice %arg3[%dma_wait3A_485, %dma_wait3A_486] : memref<100000x128xf32, #tpu.memory_space<hbm>> -> memref<100000x128xf32, #tpu.memory_space<hbm>>
        tpu.wait_indirect_dma semaphore(%arg10 : memref<!tpu.dma_semaphore, #tpu.memory_space<semaphore_mem>>) src(%dma_wait3A_487 : memref<100000x128xf32, #tpu.memory_space<hbm>>) dst(%dma_wait3A_484 : memref<16x128xf32, #tpu.memory_space<vmem>>)
        %dma_wait3A_488 = arith.constant 280 : i32
        %dma_wait3A_489 = arith.constant 0 : i32
        %dma_wait3A_490 = tpu.memref_slice %arg8[%dma_wait3A_488, %dma_wait3A_489] : memref<400x128xf32, #tpu.memory_space<vmem>> -> memref<16x128xf32, #tpu.memory_space<vmem>>
        %dma_wait3A_491 = arith.constant 0 : i32
        %dma_wait3A_492 = arith.constant 0 : i32
        %dma_wait3A_493 = tpu.memref_slice %arg3[%dma_wait3A_491, %dma_wait3A_492] : memref<100000x128xf32, #tpu.memory_space<hbm>> -> memref<100000x128xf32, #tpu.memory_space<hbm>>
        tpu.wait_indirect_dma semaphore(%arg10 : memref<!tpu.dma_semaphore, #tpu.memory_space<semaphore_mem>>) src(%dma_wait3A_493 : memref<100000x128xf32, #tpu.memory_space<hbm>>) dst(%dma_wait3A_490 : memref<16x128xf32, #tpu.memory_space<vmem>>)
        %dma_wait3A_494 = arith.constant 296 : i32
        %dma_wait3A_495 = arith.constant 0 : i32
        %dma_wait3A_496 = tpu.memref_slice %arg8[%dma_wait3A_494, %dma_wait3A_495] : memref<400x128xf32, #tpu.memory_space<vmem>> -> memref<16x128xf32, #tpu.memory_space<vmem>>
        %dma_wait3A_497 = arith.constant 0 : i32
        %dma_wait3A_498 = arith.constant 0 : i32
        %dma_wait3A_499 = tpu.memref_slice %arg3[%dma_wait3A_497, %dma_wait3A_498] : memref<100000x128xf32, #tpu.memory_space<hbm>> -> memref<100000x128xf32, #tpu.memory_space<hbm>>
        tpu.wait_indirect_dma semaphore(%arg10 : memref<!tpu.dma_semaphore, #tpu.memory_space<semaphore_mem>>) src(%dma_wait3A_499 : memref<100000x128xf32, #tpu.memory_space<hbm>>) dst(%dma_wait3A_496 : memref<16x128xf32, #tpu.memory_space<vmem>>)
        %dma_wait3A_500 = arith.constant 312 : i32
        %dma_wait3A_501 = arith.constant 0 : i32
        %dma_wait3A_502 = tpu.memref_slice %arg8[%dma_wait3A_500, %dma_wait3A_501] : memref<400x128xf32, #tpu.memory_space<vmem>> -> memref<16x128xf32, #tpu.memory_space<vmem>>
        %dma_wait3A_503 = arith.constant 0 : i32
        %dma_wait3A_504 = arith.constant 0 : i32
        %dma_wait3A_505 = tpu.memref_slice %arg3[%dma_wait3A_503, %dma_wait3A_504] : memref<100000x128xf32, #tpu.memory_space<hbm>> -> memref<100000x128xf32, #tpu.memory_space<hbm>>
        tpu.wait_indirect_dma semaphore(%arg10 : memref<!tpu.dma_semaphore, #tpu.memory_space<semaphore_mem>>) src(%dma_wait3A_505 : memref<100000x128xf32, #tpu.memory_space<hbm>>) dst(%dma_wait3A_502 : memref<16x128xf32, #tpu.memory_space<vmem>>)
        %dma_wait3A_506 = arith.constant 328 : i32
        %dma_wait3A_507 = arith.constant 0 : i32
        %dma_wait3A_508 = tpu.memref_slice %arg8[%dma_wait3A_506, %dma_wait3A_507] : memref<400x128xf32, #tpu.memory_space<vmem>> -> memref<16x128xf32, #tpu.memory_space<vmem>>
        %dma_wait3A_509 = arith.constant 0 : i32
        %dma_wait3A_510 = arith.constant 0 : i32
        %dma_wait3A_511 = tpu.memref_slice %arg3[%dma_wait3A_509, %dma_wait3A_510] : memref<100000x128xf32, #tpu.memory_space<hbm>> -> memref<100000x128xf32, #tpu.memory_space<hbm>>
        tpu.wait_indirect_dma semaphore(%arg10 : memref<!tpu.dma_semaphore, #tpu.memory_space<semaphore_mem>>) src(%dma_wait3A_511 : memref<100000x128xf32, #tpu.memory_space<hbm>>) dst(%dma_wait3A_508 : memref<16x128xf32, #tpu.memory_space<vmem>>)
        %dma_wait3A_512 = arith.constant 344 : i32
        %dma_wait3A_513 = arith.constant 0 : i32
        %dma_wait3A_514 = tpu.memref_slice %arg8[%dma_wait3A_512, %dma_wait3A_513] : memref<400x128xf32, #tpu.memory_space<vmem>> -> memref<16x128xf32, #tpu.memory_space<vmem>>
        %dma_wait3A_515 = arith.constant 0 : i32
        %dma_wait3A_516 = arith.constant 0 : i32
        %dma_wait3A_517 = tpu.memref_slice %arg3[%dma_wait3A_515, %dma_wait3A_516] : memref<100000x128xf32, #tpu.memory_space<hbm>> -> memref<100000x128xf32, #tpu.memory_space<hbm>>
        tpu.wait_indirect_dma semaphore(%arg10 : memref<!tpu.dma_semaphore, #tpu.memory_space<semaphore_mem>>) src(%dma_wait3A_517 : memref<100000x128xf32, #tpu.memory_space<hbm>>) dst(%dma_wait3A_514 : memref<16x128xf32, #tpu.memory_space<vmem>>)
        %dma_wait3A_518 = arith.constant 360 : i32
        %dma_wait3A_519 = arith.constant 0 : i32
        %dma_wait3A_520 = tpu.memref_slice %arg8[%dma_wait3A_518, %dma_wait3A_519] : memref<400x128xf32, #tpu.memory_space<vmem>> -> memref<16x128xf32, #tpu.memory_space<vmem>>
        %dma_wait3A_521 = arith.constant 0 : i32
        %dma_wait3A_522 = arith.constant 0 : i32
        %dma_wait3A_523 = tpu.memref_slice %arg3[%dma_wait3A_521, %dma_wait3A_522] : memref<100000x128xf32, #tpu.memory_space<hbm>> -> memref<100000x128xf32, #tpu.memory_space<hbm>>
        tpu.wait_indirect_dma semaphore(%arg10 : memref<!tpu.dma_semaphore, #tpu.memory_space<semaphore_mem>>) src(%dma_wait3A_523 : memref<100000x128xf32, #tpu.memory_space<hbm>>) dst(%dma_wait3A_520 : memref<16x128xf32, #tpu.memory_space<vmem>>)
        %dma_wait3A_524 = arith.constant 376 : i32
        %dma_wait3A_525 = arith.constant 0 : i32
        %dma_wait3A_526 = tpu.memref_slice %arg8[%dma_wait3A_524, %dma_wait3A_525] : memref<400x128xf32, #tpu.memory_space<vmem>> -> memref<16x128xf32, #tpu.memory_space<vmem>>
        %dma_wait3A_527 = arith.constant 0 : i32
        %dma_wait3A_528 = arith.constant 0 : i32
        %dma_wait3A_529 = tpu.memref_slice %arg3[%dma_wait3A_527, %dma_wait3A_528] : memref<100000x128xf32, #tpu.memory_space<hbm>> -> memref<100000x128xf32, #tpu.memory_space<hbm>>
        tpu.wait_indirect_dma semaphore(%arg10 : memref<!tpu.dma_semaphore, #tpu.memory_space<semaphore_mem>>) src(%dma_wait3A_529 : memref<100000x128xf32, #tpu.memory_space<hbm>>) dst(%dma_wait3A_526 : memref<16x128xf32, #tpu.memory_space<vmem>>)
        %dma_wait3A_530 = arith.constant 384 : i32
        %dma_wait3A_531 = arith.constant 0 : i32
        %dma_wait3A_532 = tpu.memref_slice %arg8[%dma_wait3A_530, %dma_wait3A_531] : memref<400x128xf32, #tpu.memory_space<vmem>> -> memref<16x128xf32, #tpu.memory_space<vmem>>
        %dma_wait3A_533 = arith.constant 0 : i32
        %dma_wait3A_534 = arith.constant 0 : i32
        %dma_wait3A_535 = tpu.memref_slice %arg3[%dma_wait3A_533, %dma_wait3A_534] : memref<100000x128xf32, #tpu.memory_space<hbm>> -> memref<100000x128xf32, #tpu.memory_space<hbm>>
        tpu.wait_indirect_dma semaphore(%arg10 : memref<!tpu.dma_semaphore, #tpu.memory_space<semaphore_mem>>) src(%dma_wait3A_535 : memref<100000x128xf32, #tpu.memory_space<hbm>>) dst(%dma_wait3A_532 : memref<16x128xf32, #tpu.memory_space<vmem>>)
        %scan3A_536 = arith.constant 0 : i32
        %scan3A_537 = arith.constant 0 : i32
        %scan3A_538 = arith.constant 200 : i32
        %scan3A_539 = arith.addi %scan3A_537, %scan3A_538 : i32
        %scan3A_540 = arith.constant 1 : i32
        scf.for %scan3A_545 = %scan3A_537 to %scan3A_539 step %scan3A_540  : i32 {
          %add3A_546 = arith.constant 0 : i32
          %add3A_547 = arith.addi %add3A_546, %scan3A_545 : i32
          %get3A_548 = arith.index_cast %add3A_547 : i32 to index
          %get3A_549 = arith.constant 0 : index
          %get3A_550 = tpu.vector_load %arg8[%get3A_548, %get3A_549] {strides = array<i32>} : memref<400x128xf32, #tpu.memory_space<vmem>>, vector<1x16xf32>,
          %get3A_551 = vector.shape_cast %get3A_550 : vector<1x16xf32> to vector<16xf32>
          %get3A_552 = arith.index_cast %scan3A_545 : i32 to index
          %get3A_553 = arith.constant 0 : index
          %get3A_554 = tpu.vector_load %arg6[%get3A_552, %get3A_553] {strides = array<i32>} : memref<200x64xf32, #tpu.memory_space<vmem>>, vector<1x16xf32>,
          %get3A_555 = vector.shape_cast %get3A_554 : vector<1x16xf32> to vector<16xf32>
          %add3A_556 = arith.addf %get3A_551, %get3A_555 : vector<16xf32>
          %swap3A = arith.constant 0 : i32
          %swap3A_557 = arith.index_cast %swap3A : i32 to index
          %swap3A_558 = arith.index_cast %scan3A_545 : i32 to index
          %swap3A_559 = arith.constant 0 : index
          %swap3A_560 = tpu.vector_load %arg9[%swap3A_557, %swap3A_558, %swap3A_559] {strides = array<i32>} : memref<2x200x64xf32, #tpu.memory_space<vmem>>, vector<1x1x16xf32>,
          %swap3A_561 = vector.shape_cast %swap3A_560 : vector<1x1x16xf32> to vector<16xf32>
          %swap3A_562 = vector.shape_cast %add3A_556 : vector<16xf32> to vector<1x1x16xf32>
          tpu.vector_store %arg9[%swap3A_557, %swap3A_558, %swap3A_559], %swap3A_562 {strides = array<i32>} : memref<2x200x64xf32, #tpu.memory_space<vmem>>, vector<1x1x16xf32>,
          %add3A_563 = arith.constant 0 : i32
          %add3A_564 = arith.addi %add3A_563, %scan3A_545 : i32
          %get3A_565 = arith.index_cast %add3A_564 : i32 to index
          %get3A_566 = arith.constant 16 : index
          %get3A_567 = tpu.vector_load %arg8[%get3A_565, %get3A_566] {strides = array<i32>} : memref<400x128xf32, #tpu.memory_space<vmem>>, vector<1x16xf32>,
          %get3A_568 = vector.shape_cast %get3A_567 : vector<1x16xf32> to vector<16xf32>
          %get3A_569 = arith.index_cast %scan3A_545 : i32 to index
          %get3A_570 = arith.constant 16 : index
          %get3A_571 = tpu.vector_load %arg6[%get3A_569, %get3A_570] {strides = array<i32>} : memref<200x64xf32, #tpu.memory_space<vmem>>, vector<1x16xf32>,
          %get3A_572 = vector.shape_cast %get3A_571 : vector<1x16xf32> to vector<16xf32>
          %add3A_573 = arith.addf %get3A_568, %get3A_572 : vector<16xf32>
          %swap3A_574 = arith.constant 0 : i32
          %swap3A_575 = arith.index_cast %swap3A_574 : i32 to index
          %swap3A_576 = arith.index_cast %scan3A_545 : i32 to index
          %swap3A_577 = arith.constant 16 : index
          %swap3A_578 = tpu.vector_load %arg9[%swap3A_575, %swap3A_576, %swap3A_577] {strides = array<i32>} : memref<2x200x64xf32, #tpu.memory_space<vmem>>, vector<1x1x16xf32>,
          %swap3A_579 = vector.shape_cast %swap3A_578 : vector<1x1x16xf32> to vector<16xf32>
          %swap3A_580 = vector.shape_cast %add3A_573 : vector<16xf32> to vector<1x1x16xf32>
          tpu.vector_store %arg9[%swap3A_575, %swap3A_576, %swap3A_577], %swap3A_580 {strides = array<i32>} : memref<2x200x64xf32, #tpu.memory_space<vmem>>, vector<1x1x16xf32>,
          %add3A_581 = arith.constant 0 : i32
          %add3A_582 = arith.addi %add3A_581, %scan3A_545 : i32
          %get3A_583 = arith.index_cast %add3A_582 : i32 to index
          %get3A_584 = arith.constant 32 : index
          %get3A_585 = tpu.vector_load %arg8[%get3A_583, %get3A_584] {strides = array<i32>} : memref<400x128xf32, #tpu.memory_space<vmem>>, vector<1x16xf32>,
          %get3A_586 = vector.shape_cast %get3A_585 : vector<1x16xf32> to vector<16xf32>
          %get3A_587 = arith.index_cast %scan3A_545 : i32 to index
          %get3A_588 = arith.constant 32 : index
          %get3A_589 = tpu.vector_load %arg6[%get3A_587, %get3A_588] {strides = array<i32>} : memref<200x64xf32, #tpu.memory_space<vmem>>, vector<1x16xf32>,
          %get3A_590 = vector.shape_cast %get3A_589 : vector<1x16xf32> to vector<16xf32>
          %add3A_591 = arith.addf %get3A_586, %get3A_590 : vector<16xf32>
          %swap3A_592 = arith.constant 0 : i32
          %swap3A_593 = arith.index_cast %swap3A_592 : i32 to index
          %swap3A_594 = arith.index_cast %scan3A_545 : i32 to index
          %swap3A_595 = arith.constant 32 : index
          %swap3A_596 = tpu.vector_load %arg9[%swap3A_593, %swap3A_594, %swap3A_595] {strides = array<i32>} : memref<2x200x64xf32, #tpu.memory_space<vmem>>, vector<1x1x16xf32>,
          %swap3A_597 = vector.shape_cast %swap3A_596 : vector<1x1x16xf32> to vector<16xf32>
          %swap3A_598 = vector.shape_cast %add3A_591 : vector<16xf32> to vector<1x1x16xf32>
          tpu.vector_store %arg9[%swap3A_593, %swap3A_594, %swap3A_595], %swap3A_598 {strides = array<i32>} : memref<2x200x64xf32, #tpu.memory_space<vmem>>, vector<1x1x16xf32>,
          %add3A_599 = arith.constant 0 : i32
          %add3A_600 = arith.addi %add3A_599, %scan3A_545 : i32
          %get3A_601 = arith.index_cast %add3A_600 : i32 to index
          %get3A_602 = arith.constant 48 : index
          %get3A_603 = tpu.vector_load %arg8[%get3A_601, %get3A_602] {strides = array<i32>} : memref<400x128xf32, #tpu.memory_space<vmem>>, vector<1x16xf32>,
          %get3A_604 = vector.shape_cast %get3A_603 : vector<1x16xf32> to vector<16xf32>
          %get3A_605 = arith.index_cast %scan3A_545 : i32 to index
          %get3A_606 = arith.constant 48 : index
          %get3A_607 = tpu.vector_load %arg6[%get3A_605, %get3A_606] {strides = array<i32>} : memref<200x64xf32, #tpu.memory_space<vmem>>, vector<1x16xf32>,
          %get3A_608 = vector.shape_cast %get3A_607 : vector<1x16xf32> to vector<16xf32>
          %add3A_609 = arith.addf %get3A_604, %get3A_608 : vector<16xf32>
          %swap3A_610 = arith.constant 0 : i32
          %swap3A_611 = arith.index_cast %swap3A_610 : i32 to index
          %swap3A_612 = arith.index_cast %scan3A_545 : i32 to index
          %swap3A_613 = arith.constant 48 : index
          %swap3A_614 = tpu.vector_load %arg9[%swap3A_611, %swap3A_612, %swap3A_613] {strides = array<i32>} : memref<2x200x64xf32, #tpu.memory_space<vmem>>, vector<1x1x16xf32>,
          %swap3A_615 = vector.shape_cast %swap3A_614 : vector<1x1x16xf32> to vector<16xf32>
          %swap3A_616 = vector.shape_cast %add3A_609 : vector<16xf32> to vector<1x1x16xf32>
          tpu.vector_store %arg9[%swap3A_611, %swap3A_612, %swap3A_613], %swap3A_616 {strides = array<i32>} : memref<2x200x64xf32, #tpu.memory_space<vmem>>, vector<1x1x16xf32>,
          %add3A_617 = arith.constant 200 : i32
          %add3A_618 = arith.addi %add3A_617, %scan3A_545 : i32
          %get3A_619 = arith.index_cast %add3A_618 : i32 to index
          %get3A_620 = arith.constant 0 : index
          %get3A_621 = tpu.vector_load %arg8[%get3A_619, %get3A_620] {strides = array<i32>} : memref<400x128xf32, #tpu.memory_space<vmem>>, vector<1x16xf32>,
          %get3A_622 = vector.shape_cast %get3A_621 : vector<1x16xf32> to vector<16xf32>
          %get3A_623 = arith.index_cast %scan3A_545 : i32 to index
          %get3A_624 = arith.constant 0 : index
          %get3A_625 = tpu.vector_load %arg6[%get3A_623, %get3A_624] {strides = array<i32>} : memref<200x64xf32, #tpu.memory_space<vmem>>, vector<1x16xf32>,
          %get3A_626 = vector.shape_cast %get3A_625 : vector<1x16xf32> to vector<16xf32>
          %add3A_627 = arith.addf %get3A_622, %get3A_626 : vector<16xf32>
          %swap3A_628 = arith.constant 1 : i32
          %swap3A_629 = arith.index_cast %swap3A_628 : i32 to index
          %swap3A_630 = arith.index_cast %scan3A_545 : i32 to index
          %swap3A_631 = arith.constant 0 : index
          %swap3A_632 = tpu.vector_load %arg9[%swap3A_629, %swap3A_630, %swap3A_631] {strides = array<i32>} : memref<2x200x64xf32, #tpu.memory_space<vmem>>, vector<1x1x16xf32>,
          %swap3A_633 = vector.shape_cast %swap3A_632 : vector<1x1x16xf32> to vector<16xf32>
          %swap3A_634 = vector.shape_cast %add3A_627 : vector<16xf32> to vector<1x1x16xf32>
          tpu.vector_store %arg9[%swap3A_629, %swap3A_630, %swap3A_631], %swap3A_634 {strides = array<i32>} : memref<2x200x64xf32, #tpu.memory_space<vmem>>, vector<1x1x16xf32>,
          %add3A_635 = arith.constant 200 : i32
          %add3A_636 = arith.addi %add3A_635, %scan3A_545 : i32
          %get3A_637 = arith.index_cast %add3A_636 : i32 to index
          %get3A_638 = arith.constant 16 : index
          %get3A_639 = tpu.vector_load %arg8[%get3A_637, %get3A_638] {strides = array<i32>} : memref<400x128xf32, #tpu.memory_space<vmem>>, vector<1x16xf32>,
          %get3A_640 = vector.shape_cast %get3A_639 : vector<1x16xf32> to vector<16xf32>
          %get3A_641 = arith.index_cast %scan3A_545 : i32 to index
          %get3A_642 = arith.constant 16 : index
          %get3A_643 = tpu.vector_load %arg6[%get3A_641, %get3A_642] {strides = array<i32>} : memref<200x64xf32, #tpu.memory_space<vmem>>, vector<1x16xf32>,
          %get3A_644 = vector.shape_cast %get3A_643 : vector<1x16xf32> to vector<16xf32>
          %add3A_645 = arith.addf %get3A_640, %get3A_644 : vector<16xf32>
          %swap3A_646 = arith.constant 1 : i32
          %swap3A_647 = arith.index_cast %swap3A_646 : i32 to index
          %swap3A_648 = arith.index_cast %scan3A_545 : i32 to index
          %swap3A_649 = arith.constant 16 : index
          %swap3A_650 = tpu.vector_load %arg9[%swap3A_647, %swap3A_648, %swap3A_649] {strides = array<i32>} : memref<2x200x64xf32, #tpu.memory_space<vmem>>, vector<1x1x16xf32>,
          %swap3A_651 = vector.shape_cast %swap3A_650 : vector<1x1x16xf32> to vector<16xf32>
          %swap3A_652 = vector.shape_cast %add3A_645 : vector<16xf32> to vector<1x1x16xf32>
          tpu.vector_store %arg9[%swap3A_647, %swap3A_648, %swap3A_649], %swap3A_652 {strides = array<i32>} : memref<2x200x64xf32, #tpu.memory_space<vmem>>, vector<1x1x16xf32>,
          %add3A_653 = arith.constant 200 : i32
          %add3A_654 = arith.addi %add3A_653, %scan3A_545 : i32
          %get3A_655 = arith.index_cast %add3A_654 : i32 to index
          %get3A_656 = arith.constant 32 : index
          %get3A_657 = tpu.vector_load %arg8[%get3A_655, %get3A_656] {strides = array<i32>} : memref<400x128xf32, #tpu.memory_space<vmem>>, vector<1x16xf32>,
          %get3A_658 = vector.shape_cast %get3A_657 : vector<1x16xf32> to vector<16xf32>
          %get3A_659 = arith.index_cast %scan3A_545 : i32 to index
          %get3A_660 = arith.constant 32 : index
          %get3A_661 = tpu.vector_load %arg6[%get3A_659, %get3A_660] {strides = array<i32>} : memref<200x64xf32, #tpu.memory_space<vmem>>, vector<1x16xf32>,
          %get3A_662 = vector.shape_cast %get3A_661 : vector<1x16xf32> to vector<16xf32>
          %add3A_663 = arith.addf %get3A_658, %get3A_662 : vector<16xf32>
          %swap3A_664 = arith.constant 1 : i32
          %swap3A_665 = arith.index_cast %swap3A_664 : i32 to index
          %swap3A_666 = arith.index_cast %scan3A_545 : i32 to index
          %swap3A_667 = arith.constant 32 : index
          %swap3A_668 = tpu.vector_load %arg9[%swap3A_665, %swap3A_666, %swap3A_667] {strides = array<i32>} : memref<2x200x64xf32, #tpu.memory_space<vmem>>, vector<1x1x16xf32>,
          %swap3A_669 = vector.shape_cast %swap3A_668 : vector<1x1x16xf32> to vector<16xf32>
          %swap3A_670 = vector.shape_cast %add3A_663 : vector<16xf32> to vector<1x1x16xf32>
          tpu.vector_store %arg9[%swap3A_665, %swap3A_666, %swap3A_667], %swap3A_670 {strides = array<i32>} : memref<2x200x64xf32, #tpu.memory_space<vmem>>, vector<1x1x16xf32>,
          %add3A_671 = arith.constant 200 : i32
          %add3A_672 = arith.addi %add3A_671, %scan3A_545 : i32
          %get3A_673 = arith.index_cast %add3A_672 : i32 to index
          %get3A_674 = arith.constant 48 : index
          %get3A_675 = tpu.vector_load %arg8[%get3A_673, %get3A_674] {strides = array<i32>} : memref<400x128xf32, #tpu.memory_space<vmem>>, vector<1x16xf32>,
          %get3A_676 = vector.shape_cast %get3A_675 : vector<1x16xf32> to vector<16xf32>
          %get3A_677 = arith.index_cast %scan3A_545 : i32 to index
          %get3A_678 = arith.constant 48 : index
          %get3A_679 = tpu.vector_load %arg6[%get3A_677, %get3A_678] {strides = array<i32>} : memref<200x64xf32, #tpu.memory_space<vmem>>, vector<1x16xf32>,
          %get3A_680 = vector.shape_cast %get3A_679 : vector<1x16xf32> to vector<16xf32>
          %add3A_681 = arith.addf %get3A_676, %get3A_680 : vector<16xf32>
          %swap3A_682 = arith.constant 1 : i32
          %swap3A_683 = arith.index_cast %swap3A_682 : i32 to index
          %swap3A_684 = arith.index_cast %scan3A_545 : i32 to index
          %swap3A_685 = arith.constant 48 : index
          %swap3A_686 = tpu.vector_load %arg9[%swap3A_683, %swap3A_684, %swap3A_685] {strides = array<i32>} : memref<2x200x64xf32, #tpu.memory_space<vmem>>, vector<1x1x16xf32>,
          %swap3A_687 = vector.shape_cast %swap3A_686 : vector<1x1x16xf32> to vector<16xf32>
          %swap3A_688 = vector.shape_cast %add3A_681 : vector<16xf32> to vector<1x1x16xf32>
          tpu.vector_store %arg9[%swap3A_683, %swap3A_684, %swap3A_685], %swap3A_688 {strides = array<i32>} : memref<2x200x64xf32, #tpu.memory_space<vmem>>, vector<1x1x16xf32>,
        }
        %scan3A_541 = arith.constant 200 : i32
        %mul3A_542 = arith.constant 2 : i32
        %mul3A_543 = arith.muli %mul3A_542, %scan3A_18 : i32
        %add3A_544 = arith.addi %add3A_11, %mul3A_543 : i32
        "tpu.region"() ({
          %run_scoped3A = tpu.sem_alloc : memref<!tpu.dma_semaphore, #tpu.memory_space<semaphore_mem>>
          %dma_start3A_545 = arith.constant 0 : i32
          %dma_start3A_546 = arith.constant 0 : i32
          %dma_start3A_547 = tpu.memref_slice %arg5[%add3A_544, %dma_start3A_545, %dma_start3A_546] : memref<4096x200x64xf32, #tpu.memory_space<hbm>> -> memref<2x200x64xf32, #tpu.memory_space<hbm>>
          %dma_start3A_548 = arith.constant 0 : i32
          %dma_start3A_549 = arith.constant 0 : i32
          %dma_start3A_550 = tpu.memref_slice %arg5[%add3A_544, %dma_start3A_548, %dma_start3A_549] : memref<4096x200x64xf32, #tpu.memory_space<hbm>> -> memref<2x200x64xf32, #tpu.memory_space<hbm>>
          tpu.enqueue_dma source(%arg9 : memref<2x200x64xf32, #tpu.memory_space<vmem>>) target(%dma_start3A_550 : memref<2x200x64xf32, #tpu.memory_space<hbm>>) target_semaphore(%run_scoped3A : memref<!tpu.dma_semaphore, #tpu.memory_space<semaphore_mem>>)
          %dma_wait3A_551 = arith.constant 0 : i32
          %dma_wait3A_552 = arith.constant 0 : i32
          %dma_wait3A_553 = tpu.memref_slice %arg5[%add3A_544, %dma_wait3A_551, %dma_wait3A_552] : memref<4096x200x64xf32, #tpu.memory_space<hbm>> -> memref<2x200x64xf32, #tpu.memory_space<hbm>>
          %dma_wait3A_554 = arith.constant 0 : i32
          %dma_wait3A_555 = arith.constant 0 : i32
          %dma_wait3A_556 = tpu.memref_slice %arg5[%add3A_544, %dma_wait3A_554, %dma_wait3A_555] : memref<4096x200x64xf32, #tpu.memory_space<hbm>> -> memref<2x200x64xf32, #tpu.memory_space<hbm>>
          tpu.wait_dma2 semaphore(%run_scoped3A : memref<!tpu.dma_semaphore, #tpu.memory_space<semaphore_mem>>) src(%arg9 : memref<2x200x64xf32, #tpu.memory_space<vmem>>) dst(%dma_wait3A_556 : memref<2x200x64xf32, #tpu.memory_space<hbm>>)
          tpu.yield
        }) : () -> ()
      }
      %scan3A_17 = arith.constant 4 : i32
    }
    %scan3A_7 = arith.constant 16 : i32
    return
  }
}

module attributes {stable_mosaic.version = 14 : i64} {
  func.func @_repack_body(%arg0: i32, %arg1: memref<1000x64xf32, #tpu.memory_space<vmem>>, %arg2: memref<1000x128xf32, #tpu.memory_space<vmem>>) attributes {dimension_semantics = [#tpu.dimension_semantics<arbitrary>], iteration_bounds = array<i64: 100>, scalar_prefetch = 0 : i64, scratch_operands = 0 : i64, tpu.core_type = #tpu.core_type<tc>, window_params = [{transform_indices = @transform_0, window_bounds = array<i64: 1000, 64>}, {transform_indices = @transform_1, window_bounds = array<i64: 1000, 128>}]} {
    %get3A = arith.constant 0 : index
    %get3A_0 = arith.constant 0 : index
    %get3A_1 = vector.load %arg1[%get3A, %get3A_0] : memref<1000x64xf32, #tpu.memory_space<vmem>>, vector<1000x64xf32>
    %swap3A = arith.constant 0 : index
    %swap3A_2 = arith.constant 0 : index
    %swap3A_3 = vector.load %arg2[%swap3A, %swap3A_2] : memref<1000x128xf32, #tpu.memory_space<vmem>>, vector<1000x64xf32>
    tpu.vector_store %arg2[%swap3A, %swap3A_2], %get3A_1 {strides = array<i32>} : memref<1000x128xf32, #tpu.memory_space<vmem>>, vector<1000x64xf32>,
    return
  }
  func.func @transform_0(%arg0: i32) -> (i32, i32) {
    %c0_i32 = arith.constant 0 : i32
    %c0_i32_0 = arith.constant 0 : i32
    return %arg0, %c0_i32 : i32, i32
  }
  func.func @transform_1(%arg0: i32) -> (i32, i32) {
    %c0_i32 = arith.constant 0 : i32
    %c0_i32_0 = arith.constant 0 : i32
    return %arg0, %c0_i32 : i32, i32
  }
}

module attributes {stable_mosaic.version = 14 : i64} {
  func.func @_mask_body(%arg0: i32, %arg1: memref<200x128xi32, #tpu.memory_space<vmem>>, %arg2: memref<200x200x128xi8, #tpu.memory_space<vmem>>) attributes {dimension_semantics = [#tpu.dimension_semantics<arbitrary>], iteration_bounds = array<i64: 32>, scalar_prefetch = 0 : i64, scratch_operands = 0 : i64, tpu.core_type = #tpu.core_type<tc>, window_params = [{transform_indices = @transform_0, window_bounds = array<i64: 200, 128>}, {transform_indices = @transform_1, window_bounds = array<i64: 200, 200, 128>}]} {
    %get3A = arith.constant 0 : index
    %get3A_0 = arith.constant 0 : index
    %get3A_1 = vector.load %arg1[%get3A, %get3A_0] : memref<200x128xi32, #tpu.memory_space<vmem>>, vector<200x128xi32>
    %gt3A = arith.constant 0 : i32
    %gt3A_2 = vector.broadcast %gt3A : i32 to vector<200x128xi32>
    %gt3A_3 = arith.cmpi sgt, %get3A_1, %gt3A_2 : vector<200x128xi32>
    %convert_element_type3A = arith.extui %gt3A_3 : vector<200x128xi1> to vector<200x128xi8>
    %scan3A = arith.constant 0 : i32
    %scan3A_4 = arith.constant 200 : i32
    %scan3A_5 = arith.addi %scan3A, %scan3A_4 : i32
    %scan3A_6 = arith.constant 1 : i32
    scf.for %scan3A_8 = %scan3A to %scan3A_5 step %scan3A_6  : i32 {
      %swap3A = arith.index_cast %scan3A_8 : i32 to index
      %swap3A_9 = arith.constant 0 : index
      %swap3A_10 = arith.constant 0 : index
      %swap3A_11 = vector.load %arg2[%swap3A, %swap3A_9, %swap3A_10] : memref<200x200x128xi8, #tpu.memory_space<vmem>>, vector<1x200x128xi8>
      %swap3A_12 = vector.shape_cast %swap3A_11 : vector<1x200x128xi8> to vector<200x128xi8>
      %swap3A_13 = vector.shape_cast %convert_element_type3A : vector<200x128xi8> to vector<1x200x128xi8>
      tpu.vector_store %arg2[%swap3A, %swap3A_9, %swap3A_10], %swap3A_13 {strides = array<i32>} : memref<200x200x128xi8, #tpu.memory_space<vmem>>, vector<1x200x128xi8>,
    }
    %scan3A_7 = arith.constant 200 : i32
    return
  }
  func.func @transform_0(%arg0: i32) -> (i32, i32) {
    %c0_i32 = arith.constant 0 : i32
    %c0_i32_0 = arith.constant 0 : i32
    return %c0_i32, %arg0 : i32, i32
  }
  func.func @transform_1(%arg0: i32) -> (i32, i32, i32) {
    %c0_i32 = arith.constant 0 : i32
    %c0_i32_0 = arith.constant 0 : i32
    %c0_i32_1 = arith.constant 0 : i32
    return %c0_i32, %c0_i32_0, %arg0 : i32, i32, i32
  }
}

module attributes {stable_mosaic.version = 14 : i64} {
  func.func @_tr_body(%arg0: i32, %arg1: i32, %arg2: memref<256x8x64xf32, #tpu.memory_space<vmem>>, %arg3: memref<8x64x256xf32, #tpu.memory_space<vmem>>) attributes {dimension_semantics = [#tpu.dimension_semantics<arbitrary>, #tpu.dimension_semantics<arbitrary>], iteration_bounds = array<i64: 25, 16>, scalar_prefetch = 0 : i64, scratch_operands = 0 : i64, tpu.core_type = #tpu.core_type<tc>, window_params = [{transform_indices = @transform_0, window_bounds = array<i64: 256, 8, 64>}, {transform_indices = @transform_1, window_bounds = array<i64: 8, 64, 256>}]} {
    %iota3A = tpu.iota {dimensions = array<i32: 0>} : vector<64x64xi32>
    %iota3A_0 = tpu.iota {dimensions = array<i32: 1>} : vector<64x64xi32>
    %eq3A = arith.cmpi eq, %iota3A, %iota3A_0 : vector<64x64xi32>
    %convert_element_type3A = arith.extui %eq3A : vector<64x64xi1> to vector<64x64xi32>
    %convert_element_type3A_1 = arith.sitofp %convert_element_type3A : vector<64x64xi32> to vector<64x64xf32>
    %get3A = arith.constant 0 : index
    %get3A_2 = arith.constant 0 : index
    %get3A_3 = arith.constant 0 : index
    %get3A_4 = vector.load %arg2[%get3A, %get3A_2, %get3A_3] : memref<256x8x64xf32, #tpu.memory_space<vmem>>, vector<256x1x64xf32>
    %get3A_5 = vector.shape_cast %get3A_4 : vector<256x1x64xf32> to vector<256x64xf32>
    %dot_general3A = arith.constant dense<0.000000e+00> : vector<64x256xf32>
    %dot_general3A_6 = tpu.matmul %convert_element_type3A_1, %get3A_5, %dot_general3A {dimension_numbers = #tpu.dot_dimension_numbers<[1], [1], [0], [0], [0, 0, 1, 0], [], []>, precision = #tpu.contract_precision<fp32>, transpose_lhs_hint = false} : vector<64x64xf32>, vector<256x64xf32>, vector<64x256xf32> -> vector<64x256xf32>
    %swap3A = arith.constant 0 : index
    %swap3A_7 = arith.constant 0 : index
    %swap3A_8 = arith.constant 0 : index
    %swap3A_9 = vector.load %arg3[%swap3A, %swap3A_7, %swap3A_8] : memref<8x64x256xf32, #tpu.memory_space<vmem>>, vector<1x64x256xf32>
    %swap3A_10 = vector.shape_cast %swap3A_9 : vector<1x64x256xf32> to vector<64x256xf32>
    %swap3A_11 = vector.shape_cast %dot_general3A_6 : vector<64x256xf32> to vector<1x64x256xf32>
    tpu.vector_store %arg3[%swap3A, %swap3A_7, %swap3A_8], %swap3A_11 {strides = array<i32>} : memref<8x64x256xf32, #tpu.memory_space<vmem>>, vector<1x64x256xf32>,
    %get3A_12 = arith.constant 0 : index
    %get3A_13 = arith.constant 1 : index
    %get3A_14 = arith.constant 0 : index
    %get3A_15 = vector.load %arg2[%get3A_12, %get3A_13, %get3A_14] : memref<256x8x64xf32, #tpu.memory_space<vmem>>, vector<256x1x64xf32>
    %get3A_16 = vector.shape_cast %get3A_15 : vector<256x1x64xf32> to vector<256x64xf32>
    %dot_general3A_17 = arith.constant dense<0.000000e+00> : vector<64x256xf32>
    %dot_general3A_18 = tpu.matmul %convert_element_type3A_1, %get3A_16, %dot_general3A_17 {dimension_numbers = #tpu.dot_dimension_numbers<[1], [1], [0], [0], [0, 0, 1, 0], [], []>, precision = #tpu.contract_precision<fp32>, transpose_lhs_hint = false} : vector<64x64xf32>, vector<256x64xf32>, vector<64x256xf32> -> vector<64x256xf32>
    %swap3A_19 = arith.constant 1 : index
    %swap3A_20 = arith.constant 0 : index
    %swap3A_21 = arith.constant 0 : index
    %swap3A_22 = vector.load %arg3[%swap3A_19, %swap3A_20, %swap3A_21] : memref<8x64x256xf32, #tpu.memory_space<vmem>>, vector<1x64x256xf32>
    %swap3A_23 = vector.shape_cast %swap3A_22 : vector<1x64x256xf32> to vector<64x256xf32>
    %swap3A_24 = vector.shape_cast %dot_general3A_18 : vector<64x256xf32> to vector<1x64x256xf32>
    tpu.vector_store %arg3[%swap3A_19, %swap3A_20, %swap3A_21], %swap3A_24 {strides = array<i32>} : memref<8x64x256xf32, #tpu.memory_space<vmem>>, vector<1x64x256xf32>,
    %get3A_25 = arith.constant 0 : index
    %get3A_26 = arith.constant 2 : index
    %get3A_27 = arith.constant 0 : index
    %get3A_28 = vector.load %arg2[%get3A_25, %get3A_26, %get3A_27] : memref<256x8x64xf32, #tpu.memory_space<vmem>>, vector<256x1x64xf32>
    %get3A_29 = vector.shape_cast %get3A_28 : vector<256x1x64xf32> to vector<256x64xf32>
    %dot_general3A_30 = arith.constant dense<0.000000e+00> : vector<64x256xf32>
    %dot_general3A_31 = tpu.matmul %convert_element_type3A_1, %get3A_29, %dot_general3A_30 {dimension_numbers = #tpu.dot_dimension_numbers<[1], [1], [0], [0], [0, 0, 1, 0], [], []>, precision = #tpu.contract_precision<fp32>, transpose_lhs_hint = false} : vector<64x64xf32>, vector<256x64xf32>, vector<64x256xf32> -> vector<64x256xf32>
    %swap3A_32 = arith.constant 2 : index
    %swap3A_33 = arith.constant 0 : index
    %swap3A_34 = arith.constant 0 : index
    %swap3A_35 = vector.load %arg3[%swap3A_32, %swap3A_33, %swap3A_34] : memref<8x64x256xf32, #tpu.memory_space<vmem>>, vector<1x64x256xf32>
    %swap3A_36 = vector.shape_cast %swap3A_35 : vector<1x64x256xf32> to vector<64x256xf32>
    %swap3A_37 = vector.shape_cast %dot_general3A_31 : vector<64x256xf32> to vector<1x64x256xf32>
    tpu.vector_store %arg3[%swap3A_32, %swap3A_33, %swap3A_34], %swap3A_37 {strides = array<i32>} : memref<8x64x256xf32, #tpu.memory_space<vmem>>, vector<1x64x256xf32>,
    %get3A_38 = arith.constant 0 : index
    %get3A_39 = arith.constant 3 : index
    %get3A_40 = arith.constant 0 : index
    %get3A_41 = vector.load %arg2[%get3A_38, %get3A_39, %get3A_40] : memref<256x8x64xf32, #tpu.memory_space<vmem>>, vector<256x1x64xf32>
    %get3A_42 = vector.shape_cast %get3A_41 : vector<256x1x64xf32> to vector<256x64xf32>
    %dot_general3A_43 = arith.constant dense<0.000000e+00> : vector<64x256xf32>
    %dot_general3A_44 = tpu.matmul %convert_element_type3A_1, %get3A_42, %dot_general3A_43 {dimension_numbers = #tpu.dot_dimension_numbers<[1], [1], [0], [0], [0, 0, 1, 0], [], []>, precision = #tpu.contract_precision<fp32>, transpose_lhs_hint = false} : vector<64x64xf32>, vector<256x64xf32>, vector<64x256xf32> -> vector<64x256xf32>
    %swap3A_45 = arith.constant 3 : index
    %swap3A_46 = arith.constant 0 : index
    %swap3A_47 = arith.constant 0 : index
    %swap3A_48 = vector.load %arg3[%swap3A_45, %swap3A_46, %swap3A_47] : memref<8x64x256xf32, #tpu.memory_space<vmem>>, vector<1x64x256xf32>
    %swap3A_49 = vector.shape_cast %swap3A_48 : vector<1x64x256xf32> to vector<64x256xf32>
    %swap3A_50 = vector.shape_cast %dot_general3A_44 : vector<64x256xf32> to vector<1x64x256xf32>
    tpu.vector_store %arg3[%swap3A_45, %swap3A_46, %swap3A_47], %swap3A_50 {strides = array<i32>} : memref<8x64x256xf32, #tpu.memory_space<vmem>>, vector<1x64x256xf32>,
    %get3A_51 = arith.constant 0 : index
    %get3A_52 = arith.constant 4 : index
    %get3A_53 = arith.constant 0 : index
    %get3A_54 = vector.load %arg2[%get3A_51, %get3A_52, %get3A_53] : memref<256x8x64xf32, #tpu.memory_space<vmem>>, vector<256x1x64xf32>
    %get3A_55 = vector.shape_cast %get3A_54 : vector<256x1x64xf32> to vector<256x64xf32>
    %dot_general3A_56 = arith.constant dense<0.000000e+00> : vector<64x256xf32>
    %dot_general3A_57 = tpu.matmul %convert_element_type3A_1, %get3A_55, %dot_general3A_56 {dimension_numbers = #tpu.dot_dimension_numbers<[1], [1], [0], [0], [0, 0, 1, 0], [], []>, precision = #tpu.contract_precision<fp32>, transpose_lhs_hint = false} : vector<64x64xf32>, vector<256x64xf32>, vector<64x256xf32> -> vector<64x256xf32>
    %swap3A_58 = arith.constant 4 : index
    %swap3A_59 = arith.constant 0 : index
    %swap3A_60 = arith.constant 0 : index
    %swap3A_61 = vector.load %arg3[%swap3A_58, %swap3A_59, %swap3A_60] : memref<8x64x256xf32, #tpu.memory_space<vmem>>, vector<1x64x256xf32>
    %swap3A_62 = vector.shape_cast %swap3A_61 : vector<1x64x256xf32> to vector<64x256xf32>
    %swap3A_63 = vector.shape_cast %dot_general3A_57 : vector<64x256xf32> to vector<1x64x256xf32>
    tpu.vector_store %arg3[%swap3A_58, %swap3A_59, %swap3A_60], %swap3A_63 {strides = array<i32>} : memref<8x64x256xf32, #tpu.memory_space<vmem>>, vector<1x64x256xf32>,
    %get3A_64 = arith.constant 0 : index
    %get3A_65 = arith.constant 5 : index
    %get3A_66 = arith.constant 0 : index
    %get3A_67 = vector.load %arg2[%get3A_64, %get3A_65, %get3A_66] : memref<256x8x64xf32, #tpu.memory_space<vmem>>, vector<256x1x64xf32>
    %get3A_68 = vector.shape_cast %get3A_67 : vector<256x1x64xf32> to vector<256x64xf32>
    %dot_general3A_69 = arith.constant dense<0.000000e+00> : vector<64x256xf32>
    %dot_general3A_70 = tpu.matmul %convert_element_type3A_1, %get3A_68, %dot_general3A_69 {dimension_numbers = #tpu.dot_dimension_numbers<[1], [1], [0], [0], [0, 0, 1, 0], [], []>, precision = #tpu.contract_precision<fp32>, transpose_lhs_hint = false} : vector<64x64xf32>, vector<256x64xf32>, vector<64x256xf32> -> vector<64x256xf32>
    %swap3A_71 = arith.constant 5 : index
    %swap3A_72 = arith.constant 0 : index
    %swap3A_73 = arith.constant 0 : index
    %swap3A_74 = vector.load %arg3[%swap3A_71, %swap3A_72, %swap3A_73] : memref<8x64x256xf32, #tpu.memory_space<vmem>>, vector<1x64x256xf32>
    %swap3A_75 = vector.shape_cast %swap3A_74 : vector<1x64x256xf32> to vector<64x256xf32>
    %swap3A_76 = vector.shape_cast %dot_general3A_70 : vector<64x256xf32> to vector<1x64x256xf32>
    tpu.vector_store %arg3[%swap3A_71, %swap3A_72, %swap3A_73], %swap3A_76 {strides = array<i32>} : memref<8x64x256xf32, #tpu.memory_space<vmem>>, vector<1x64x256xf32>,
    %get3A_77 = arith.constant 0 : index
    %get3A_78 = arith.constant 6 : index
    %get3A_79 = arith.constant 0 : index
    %get3A_80 = vector.load %arg2[%get3A_77, %get3A_78, %get3A_79] : memref<256x8x64xf32, #tpu.memory_space<vmem>>, vector<256x1x64xf32>
    %get3A_81 = vector.shape_cast %get3A_80 : vector<256x1x64xf32> to vector<256x64xf32>
    %dot_general3A_82 = arith.constant dense<0.000000e+00> : vector<64x256xf32>
    %dot_general3A_83 = tpu.matmul %convert_element_type3A_1, %get3A_81, %dot_general3A_82 {dimension_numbers = #tpu.dot_dimension_numbers<[1], [1], [0], [0], [0, 0, 1, 0], [], []>, precision = #tpu.contract_precision<fp32>, transpose_lhs_hint = false} : vector<64x64xf32>, vector<256x64xf32>, vector<64x256xf32> -> vector<64x256xf32>
    %swap3A_84 = arith.constant 6 : index
    %swap3A_85 = arith.constant 0 : index
    %swap3A_86 = arith.constant 0 : index
    %swap3A_87 = vector.load %arg3[%swap3A_84, %swap3A_85, %swap3A_86] : memref<8x64x256xf32, #tpu.memory_space<vmem>>, vector<1x64x256xf32>
    %swap3A_88 = vector.shape_cast %swap3A_87 : vector<1x64x256xf32> to vector<64x256xf32>
    %swap3A_89 = vector.shape_cast %dot_general3A_83 : vector<64x256xf32> to vector<1x64x256xf32>
    tpu.vector_store %arg3[%swap3A_84, %swap3A_85, %swap3A_86], %swap3A_89 {strides = array<i32>} : memref<8x64x256xf32, #tpu.memory_space<vmem>>, vector<1x64x256xf32>,
    %get3A_90 = arith.constant 0 : index
    %get3A_91 = arith.constant 7 : index
    %get3A_92 = arith.constant 0 : index
    %get3A_93 = vector.load %arg2[%get3A_90, %get3A_91, %get3A_92] : memref<256x8x64xf32, #tpu.memory_space<vmem>>, vector<256x1x64xf32>
    %get3A_94 = vector.shape_cast %get3A_93 : vector<256x1x64xf32> to vector<256x64xf32>
    %dot_general3A_95 = arith.constant dense<0.000000e+00> : vector<64x256xf32>
    %dot_general3A_96 = tpu.matmul %convert_element_type3A_1, %get3A_94, %dot_general3A_95 {dimension_numbers = #tpu.dot_dimension_numbers<[1], [1], [0], [0], [0, 0, 1, 0], [], []>, precision = #tpu.contract_precision<fp32>, transpose_lhs_hint = false} : vector<64x64xf32>, vector<256x64xf32>, vector<64x256xf32> -> vector<64x256xf32>
    %swap3A_97 = arith.constant 7 : index
    %swap3A_98 = arith.constant 0 : index
    %swap3A_99 = arith.constant 0 : index
    %swap3A_100 = vector.load %arg3[%swap3A_97, %swap3A_98, %swap3A_99] : memref<8x64x256xf32, #tpu.memory_space<vmem>>, vector<1x64x256xf32>
    %swap3A_101 = vector.shape_cast %swap3A_100 : vector<1x64x256xf32> to vector<64x256xf32>
    %swap3A_102 = vector.shape_cast %dot_general3A_96 : vector<64x256xf32> to vector<1x64x256xf32>
    tpu.vector_store %arg3[%swap3A_97, %swap3A_98, %swap3A_99], %swap3A_102 {strides = array<i32>} : memref<8x64x256xf32, #tpu.memory_space<vmem>>, vector<1x64x256xf32>,
    return
  }
  func.func @transform_0(%arg0: i32, %arg1: i32) -> (i32, i32, i32) {
    %c0_i32 = arith.constant 0 : i32
    %c0_i32_0 = arith.constant 0 : i32
    return %arg1, %arg0, %c0_i32 : i32, i32, i32
  }
  func.func @transform_1(%arg0: i32, %arg1: i32) -> (i32, i32, i32) {
    %c0_i32 = arith.constant 0 : i32
    %c0_i32_0 = arith.constant 0 : i32
    return %arg0, %c0_i32, %arg1 : i32, i32, i32
  }
}

</mosaic_0001>

<sc_bundles>
// kernel: kernel.6.cloned.1.call-start
scs
__scs_entry_jumppad:
0x0: {  	(pc) =	sbr.rel $0x88, $3  }
0x1: {  	(tag) =	ssettag $0x0;
	lr =	simm.s32 $0x1  }
0x2: {  	[smem:$0x3F9E] =	sst lr;
	_ =	strace $0xD0000000  }
0x3: {  	_ = 	snop  }
0x4: {  	_ = 	snop  }
0x5: {  	_ = 	snop  }
0x6: {  	_ = 	snop  }
0x7: {  	_ = 	snop  }
__scs_overlays_trampoline_lowered:
0x8: {  	[smem:$0x3FAD] =	sst s0  }
0x9: {  	[smem:$0x3FAE] =	sst s1  }
0xa: {  	[smem:$0x3FAF] =	sst s2  }
0xb: {  	[smem:$0x3FB0] =	sst s3  }
0xc: {  	[smem:$0x3FB1] =	sst s4  }
0xd: {  	[smem:$0x3FB2] =	sst s5  }
0xe: {  	[smem:$0x3FB3] =	sst s6  }
0xf: {  	[smem:$0x3FB4] =	sst s7  }
0x10: {  	[smem:$0x3FB5] =	sst s8  }
0x11: {  	[smem:$0x3FB6] =	sst s9;
	s0 =	simm.s32 @!p0 $0x0  }
0x12: {  	s1 =	sld [smem:$0x3F9C];
	s0 =	simm.s32 @p0 $0x1  }
0x13: {  	[smem:$0x3FB7] =	sst s0;
	s0 =	simm.s32 @!p1 $0x0  }
0x14: {  	s2 =	sld [smem:$0x3F9B];
	s0 =	simm.s32 @p1 $0x1  }
0x15: {  	[smem:$0x3FB8] =	sst s0;
	s0 =	simm.s32 @!p2 $0x0  }
0x16: {  	s3 =	sld [smem:$0x3FDB];
	s0 =	simm.s32 @p2 $0x1  }
0x17: {  	s4 =	simm.s32 $0x1BF5;
	[smem:$0x3FBA] =	sst s0  }
0x18: {  	s0 =	sld [smem:$0x3F9D];
	_ =	swait.ge [sflag:s4], $0x0  }
0x19: {  	s7 =	sld [smem:$0x3F9E]  }
0x1a: {  	s8 =	sadd.s32 $0xFFFFE003, lr  }
0x1b: {  	s9 =	sadd.s32 $0xFFFFFEF7, lr;
	s5 =	simm.s32 $0xFFFFFFFF;
	p2 =	slt.u32 s8, $0xFFFFF086  }
0x1c: {  	p1 =	slt.u32 s9, $0xF7A;
	s5 =	simm.s32 @!p2 $0x0  }
0x1d: {  	s5 =	simm.s32 @p1 $0x1;
	p0 =	seq.s32 s7, s2  }
0x1e: {  	s7 =	smul.u32 @!p0 $0xF7A, s2;
	p2 =	seq.s32 @!p0 s5, $0x0  }
0x1f: {  	s9 =	smul.u32 $0xF7A, s1;
	s8 =	simm.s32 @!p0 $0x1BF5;
	p2 =	por !p2, p0  }
0x20: {  	[sflag:s8] =	ssyncset.s32 @!p0 $0xFFFFF086;
	s6 =	sadd.s32 @!p0 s3, s7;
	s7 =	simm.s32 @!p0 $0x108  }
0x21: {  	s3 =	sadd.s32 s3, s9;
	s6 =	sadd.s32 @!p0 $0x88, s6;
	s7 =	simm.s32 @p2 $0x1082  }
0x22: {  	[simem:s7], [sflag:s8] =	dma.local @!p0 [hbm:s6], $0xF7A  }
0x23: {  	s9 =	sor.u32 $0xD0000000, s2;
	s6 =	simm.s32 $0x108;
	_ =	swait.ge @!p0 [sflag:s8], $0x0  }
0x24: {  	s3 =	sadd.s32 $0x88, s3;
	s6 =	simm.s32 @!p1 $0x1082;
	[sflag:s4] =	ssyncset.s32 $0xFFFFF086  }
0x25: {  	[simem:s6], [sflag:s4] =	dma.local [hbm:s3], $0xF7A  }
0x26: {  	[smem:$0x3F9E] =	sst s1;
	(tag) =	ssettag s2;
	_ =	strace s9  }
0x27: {  	s1 =	sld [smem:$0x3FAE]  }
0x28: {  	s2 =	sld [smem:$0x3FAF]  }
0x29: {  	s4 =	sld [smem:$0x3FB1]  }
0x2a: {  	p0 =	seq.s32 s5, $0x0;
	s5 =	sld [smem:$0x3FB2]  }
0x2b: {  	s6 =	sld [smem:$0x3FB3]  }
0x2c: {  	s7 =	sld [smem:$0x3FB4]  }
0x2d: {  	s3 =	simm.s32 $0x108;
	s8 =	sld [smem:$0x3FB5]  }
0x2e: {  	s3 =	simm.s32 @!p0 $0x1082;
	s9 =	sld [smem:$0x3FB6]  }
0x2f: {  	lr =	sadd.s32 s0, s3;
	s0 =	sld [smem:$0x3FAD]  }
0x30: {  	s3 =	sld [smem:$0x3FB0]  }
0x31: {  	[smem:$0x3FB9] =	sst s10  }
0x32: {  	s10 =	sld [smem:$0x3FB7];
	_ =	sdelay $0x3  }
0x33: {  	p0 =	seq.s32 s10, $0x1;
	s10 =	sld [smem:$0x3FB9];
	_ =	sdelay $0x3  }
0x34: {  	[smem:$0x3FB9] =	sst s10  }
0x35: {  	s10 =	sld [smem:$0x3FB8];
	_ =	sdelay $0x3  }
0x36: {  	p1 =	seq.s32 s10, $0x1;
	s10 =	sld [smem:$0x3FB9];
	_ =	sdelay $0x3  }
0x37: {  	[smem:$0x3FB9] =	sst s10  }
0x38: {  	s10 =	sld [smem:$0x3FBA]  }
0x39: {  	_ = 	snop;
	(pc) =	sbr.ind lr, $3  }
0x3a: {  	_ = 	snop  }
0x3b: {  	_ = 	snop  }
0x3c: {  	p2 =	seq.s32 s10, $0x1;
	s10 =	sld [smem:$0x3FB9]  }
0x3d: {  	_ =	shalt  }
0x3e: {  	_ =	shalt  }
0x3f: {  	_ =	shalt  }
0x40: {  	_ =	shalt  }
0x41: {  	_ =	shalt  }
0x42: {  	_ =	shalt  }
0x43: {  	_ =	shalt  }
0x44: {  	_ =	shalt  }
0x45: {  	_ =	shalt  }
0x46: {  	_ =	shalt  }
0x47: {  	_ =	shalt  }
0x48: {  	_ =	shalt  }
0x49: {  	_ =	shalt  }
0x4a: {  	_ =	shalt  }
0x4b: {  	_ =	shalt  }
0x4c: {  	_ =	shalt  }
0x4d: {  	_ =	shalt  }
0x4e: {  	_ =	shalt  }
0x4f: {  	_ =	shalt  }
0x50: {  	_ =	shalt  }
0x51: {  	_ =	shalt  }
0x52: {  	_ =	shalt  }
0x53: {  	_ =	shalt  }
0x54: {  	_ =	shalt  }
0x55: {  	_ =	shalt  }
0x56: {  	_ =	shalt  }
0x57: {  	_ =	shalt  }
0x58: {  	_ =	shalt  }
0x59: {  	_ =	shalt  }
0x5a: {  	_ =	shalt  }
0x5b: {  	_ =	shalt  }
0x5c: {  	_ =	shalt  }
0x5d: {  	_ =	shalt  }
0x5e: {  	_ =	shalt  }
0x5f: {  	_ =	shalt  }
0x60: {  	_ =	shalt  }
0x61: {  	_ =	shalt  }
0x62: {  	_ =	shalt  }
0x63: {  	_ =	shalt  }
0x64: {  	_ =	shalt  }
0x65: {  	_ =	shalt  }
0x66: {  	_ =	shalt  }
0x67: {  	_ =	shalt  }
0x68: {  	_ =	shalt  }
0x69: {  	_ =	shalt  }
0x6a: {  	_ =	shalt  }
0x6b: {  	_ =	shalt  }
0x6c: {  	_ =	shalt  }
0x6d: {  	_ =	shalt  }
0x6e: {  	_ =	shalt  }
0x6f: {  	_ =	shalt  }
0x70: {  	_ =	shalt  }
0x71: {  	_ =	shalt  }
0x72: {  	_ =	shalt  }
0x73: {  	_ =	shalt  }
0x74: {  	_ =	shalt  }
0x75: {  	_ =	shalt  }
0x76: {  	_ =	shalt  }
0x77: {  	_ =	shalt  }
0x78: {  	_ =	shalt  }
0x79: {  	_ =	shalt  }
0x7a: {  	_ =	shalt  }
0x7b: {  	_ =	shalt  }
0x7c: {  	_ =	shalt  }
0x7d: {  	_ =	shalt  }
0x7e: {  	_ =	shalt  }
0x7f: {  	_ =	shalt  }
0x80: {  	_ =	shalt  }
0x81: {  	_ =	shalt  }
0x82: {  	_ =	shalt  }
0x83: {  	_ =	shalt  }
0x84: {  	_ =	shalt  }
0x85: {  	_ =	shalt  }
0x86: {  	_ =	shalt  }
0x87: {  	_ =	shalt  }
.Lfunc_end0:
.L_simem_size_0:
called_computation_lowered:
.L_overlay_start_0:
0x88: {  	s2 =	sld [smem:$0x3FD9]  }
0x89: {  	s3 =	sld [smem:$0x3FFE];
	_ =	sdelay $0x1  }
0x8a: {  	s1 =	srdreg.scid  }
0x8b: {  	s0 =	sand.u32 $0x1, s1  }
0x8c: {  	s14 =	sshll.u32 s0, $0xA;
	s2 =	sadd.s32 s3, s2  }
0x8d: {  	s2 =	sadd.s32 s2, s14  }
0x8e: {  	[smem:$0x3FC5] =	sst s2  }
0x8f: {  	_ = 	snop  }
0x90: {  	s2 =	sld [smem:$0x3FD0];
	_ =	sdelay $0x2  }
0x91: {  	s15 =	simm.s32 $0xA;
	s4 =	simm.s32 $0x10  }
0x92: {  	[smem:s4], [sflag:s15] =	dma.local [hbm:s2], $0x1  }
0x93: {  	_ =	swait.eq [sflag:s15], $0x1  }
0x94: {  	[sflag:s15] =	ssyncset.done $0x0  }
0x95: {  	[sflag:s15] =	ssyncadd.s32 $0xFFFFFFFF  }
0x96: {  	s16 =	sld [smem:$0x10];
	(tm) =	ssettm $0x1  }
0x97: {  	s17 =	sld [smem:$0x3FFB];
	_ =	sdelay $0x3  }
0x98: {  	_ =	strace s17  }
0x99: {  	s3 =	sld [smem:$0x3FFC];
	_ =	sdelay $0x3  }
0x9a: {  	_ =	strace s3  }
0x9b: {  	s3 =	sld [smem:$0x3FFD];
	_ =	sdelay $0x3  }
0x9c: {  	_ =	strace s3  }
0x9d: {  	_ =	strace $0x8FFFFFFF  }
0x9e: {  	s18 =	sld [smem:$0x3FDB];
	_ =	sdelay $0x1  }
0x9f: {  	s19 =	simm.s32 $_scs_section_size  }
0xa0: {  	s5 =	simm.s32 $_size__tile_overlayer_lowered;
	s6 =	simm.s32 $_tile_overlayer_lowered  }
0xa1: {  	s22 =	simm.s32 $0x1BFF;
	s21 =	sshll.u32 s6, $0x1;
	s3 =	sadd.s32 s19, s18  }
0xa2: {  	s7 =	simm.s32 $0x0;
	s20 =	sshll.u32 s5, $0x1;
	s5 =	sadd.s32 s21, s3  }
0xa3: {  	[timem:s7], [sflag:s22] =	dma.local [hbm:s5], s20  }
0xa4: {  	_ =	swait.ge [sflag:s22], s20  }
0xa5: {  	s4 =	ssub.s32 $0x0, s20;
	[sflag:s22] =	ssyncset.done $0x0  }
0xa6: {  	[sflag:s22] =	ssyncadd.s32 s4;
	_ =	sdelay $0x1  }
0xa7: {  	s23 =	simm.s32 $0x1B8B  }
0xa8: {  	_ =	swait.ge [sflag:s23], $0x1  }
0xa9: {  	[sflag:s23] =	ssyncset.done $0x0  }
0xaa: {  	s25 =	simm.s32 $0x1B8E;
	s24 =	sld [smem:$0x3FFE];
	[sflag:s23] =	ssyncadd.s32 $0xFFFFFFFF  }
0xab: {  	s26 =	simm.s32 $execute0_lowered;
	[smem:$0x3FD2] =	sst s25  }
0xac: {  	s5 =	sshll.u32 s26, $0x1;
	_ =	strace $0x80000046;
	[dreg:$0x1] =	wrdreg $0xFFFFFFFF  }
0xad: {  	s28 =	simm.s32 $_size_execute0_lowered;
	s3 =	sadd.s32 s3, s5;
	[dreg:$0x0] =	wrdreg $0x0  }
0xae: {  	s5 =	sshll.u32 s28, $0x1;
	[dreg:$0x2] =	wrdreg s3  }
0xaf: {  	[dreg:$0x3] =	wrdreg s5  }
0xb0: {  	[dreg:$0x4] =	wrdreg $0xC0  }
0xb1: {  	_ =	task [dreg:s7], $0x5FFFF  }
0xb2: {  	[dreg:$0x1] =	wrdreg $0xFFFFFFFF  }
0xb3: {  	[dreg:$0x0] =	wrdreg $0x60  }
0xb4: {  	[dreg:$0x2] =	wrdreg s24  }
0xb5: {  	[dreg:$0x3] =	wrdreg s16  }
0xb6: {  	[dreg:$0x4] =	wrdreg $0x9  }
0xb7: {  	_ =	task.clear_ibuf [dreg:s7], $0x5FFFF;
	_ =	strace $0x90000046  }
0xb8: {  	s29 =	simm.s32 $0x9;
	_ =	strace $0x80000048  }
0xb9: {  	_ =	swait.ge [sflag:s29], $0x1  }
0xba: {  	[sflag:s29] =	ssyncadd.s32 $0xFFFFFFFF  }
0xbb: {  	_ =	strace $0x90000048  }
0xbc: {  	_ =	sfence  }
0xbd: {  	s30 =	sld [smem:$0x0];
	_ =	sdelay $0x2  }
0xbe: {  	s31 =	sshll.u32 s1, $0xD;
	s1 =	sshrl.u32 s1, $0x2  }
0xbf: {  	s3 =	sand.u32 $0x4000, s31;
	s1 =	sadd.s32 s1, s30  }
0xc0: {  	s0 =	sor.u32 s3, s0;
	s1 =	sshll.u32 s1, $0x11  }
0xc1: {  	s0 =	sor.u32 s1, s0  }
0xc2: {  	s0 =	sadd.s32 $0x8F2B, s0  }
0xc3: {  	[sflag:s0] =	ssyncadd.remote.s32 $0x1  }
0xc4: {  	_ =	sfence.sel $0xFFFF  }
0xc5: {  	[dreg:$0x0] =	wrdreg $0xFFFFFFFF;
	(pc) =	sbr.abs _section_cstart, $3  }
0xc6: {  	[dreg:$0x1] =	wrdreg $0xFFFFFFFF  }
0xc7: {  	_ =	task.clear_ibuf [dreg:s7], $0x2FFFF;
	_ =	strace $0x9FFFFFFF  }
0xc8: {  	(tm) =	ssettm $0x7FFFFFFF  }
0xc9: {  	_ =	shalt  }
tec
execute0_lowered:
.L_overlay_start_1:
0x0: {  	(tag) =	ssettag $0x1  }
0x1: {  	s0 =	rddreg [dreg:$0x0]  }
0x2: {  	s1 =	rddreg [dreg:$0x1];
	s2 =	simm.s32 $0x0;
	s22 =	srdreg.scid  }
0x3: {  	s4 =	stileid.u32;
	s9 =	simm.s32 $0x2;
	s17 =	simm.s32 $0x9C00  }
0x4: {  	s18 =	simm.s32 $0xA400;
	s19 =	simm.s32 $0xAC00;
	s20 =	simm.s32 $0xB400  }
0x5: {  	s21 =	simm.s32 $0xBC00;
	s28 =	simm.s32 $0xE800;
	s29 =	simm.s32 $0xF000  }
0x6: {  	s30 =	simm.s32 $0xF800;
	s31 =	simm.s32 $0x10000;
	s5 =	simm.s32 $0x11800  }
0x7: {  	s8 =	simm.s32 $0x12000;
	s10 =	simm.s32 $0x12800;
	s7 =	simm.s32 $0x1  }
0x8: {  	s12 =	simm.s32 $0x0;
	[smem:$0x7FF] =	sst s2;
	s2 =	sand.u32 $0x1, s22  }
0x9: {  	s3 =	sadd.s32 $0x800, s0;
	s23 =	sadd.s32 $0x20800, s0;
	s6 =	sadd.s32 $0x21600, s0  }
0xa: {  	v0 =	vimm.s32 $0xFEDCBA98;
	s26 =	sshll.u32 s4, $0x8;
	_ =	strace $0x80000047;
	[dreg:$0x3] =	wrdreg s3  }
0xb: {  	v1 =	vimm.s32 $0x76543210;
	s22 =	simm.s32 $0xC400;
	v0 =	vunpack.c.l.s4.s8 v0;
	s4 =	simm.s32 $0x12C00;
	[dreg:$0x4] =	wrdreg s23  }
0xc: {  	v1 =	vunpack.c.l.s4.s8 v1;
	s24 =	ssub.s32 $0x2, s2;
	s2 =	sshll.u32 s2, $0x7;
	s23 =	simm.s32 $0xC800  }
0xd: {  	s3 =	simm.s32 $0x11000;
	s25 =	sshrl.u32 s24, $0x1;
	s2 =	sor.u32 s2, s26;
	v0 =	vunpack.c.0.s8.s32 v0  }
0xe: {  	s26 =	simm.s32 $0xE000;
	v1 =	vunpack.c.0.s8.s32 v1;
	s0 =	ssub.s32 s24, s25;
	[dreg:$0x5] =	wrdreg s2  }
0xf: {  	s24 =	simm.s32 $0xD000;
	s25 =	simm.s32 $0xD800;
	s0 =	smax.u32 s0, $0x1;
	v0 =	vand.u32 $0xF, v0  }
0x10: {  	vm0 =	vmmov $0xffff;
	vm1 =	vmmov $0xff;
	s2 =	simm.s32 $0x13400;
	[dreg:$0x6] =	wrdreg s0;
	s0 =	simm.s32 $0x10800;
	v0 =	vcombine.low v0, v1  }
.LBB2_1:
0x11: {  	[dreg:$0x7] =	wrdreg s12  }
0x12: {  	s11 =	simm.s32 $0x0;
	s16 =	rddreg [dreg:$0x4]  }
0x13: {  	[tilespmem:s11], [sflag:$0x2] =	stream.linear.gather [hbm4b:s16+s11], $0x6400, $0x38;
	[tilespmem:$0x1FC00] =	vst v63  }
0x14: {  	_ =	swait.ge [sflag:s9], $0x6400  }
0x15: {  	[sflag:s9] =	ssyncset.done $0x0  }
0x16: {  	s11 =	simm.s32 $0x0;
	[sflag:s9] =	ssyncadd.s32 $0xFFFF9C00  }
.LBB2_2:
0x17: {  	s16 =	sshll.u32 s11, $0x3;
	s12 =	rddreg [dreg:$0x5]  }
0x18: {  	[dreg:$0x8] =	wrdreg s11;
	s11 =	sadd.s32 s12, s16  }
0x19: {  	s13 =	rddreg [dreg:$0x3];
	s12 =	sshll.u32 s11, $0x5  }
0x1a: {  	s14 =	simm.s32 $0x6400;
	s13 =	sadd.s32 s13, s12;
	s12 =	simm.s32 $0x0  }
0x1b: {  	[tilespmem:s14], [sflag:$0x2] =	stream.linear.gather [hbm4b:s13+s12], $0x800, $0x38;
	[tilespmem:$0x1FC00] =	vst v63  }
0x1c: {  	_ =	swait.ge [sflag:s9], $0x800  }
0x1d: {  	[sflag:s9] =	ssyncset.done $0x0  }
0x1e: {  	s13 =	simm.s32 $0x0;
	[sflag:s9] =	ssyncadd.s32 $0xFFFFF800  }
.LBB2_3:
0x1f: {  	s14 =	sshll.u32 s13, $0xA  }
0x20: {  	s14 =	sshra.s32 s14, $0x2  }
0x21: {  	v1 =	vld [tilespmem:s14+$0x6400];
	_ =	sdelay $0x6  }
0x22: {  	s15 =	simm.s32 $0x6C00  }
0x23: {  	[tilespmem:s15], [sflag:$0x1] =	stream.indirect_vreg.gather [hbm4b:s1+s12], $0x80, v1, vm0, $0xb8;
	[tilespmem:$0x1FC00] =	vst v63  }
0x24: {  	v1 =	vld [tilespmem:s14+$0x6410];
	_ =	sdelay $0x6  }
0x25: {  	s16 =	simm.s32 $0x7400  }
0x26: {  	[tilespmem:s16], [sflag:$0x1] =	stream.indirect_vreg.gather [hbm4b:s1+s12], $0x80, v1, vm0, $0xb8;
	[tilespmem:$0x1FC00] =	vst v63  }
0x27: {  	v1 =	vld [tilespmem:s14+$0x6420];
	_ =	sdelay $0x6  }
0x28: {  	s16 =	simm.s32 $0x7C00  }
0x29: {  	[tilespmem:s16], [sflag:$0x1] =	stream.indirect_vreg.gather [hbm4b:s1+s12], $0x80, v1, vm0, $0xb8;
	[tilespmem:$0x1FC00] =	vst v63  }
0x2a: {  	v1 =	vld [tilespmem:s14+$0x6430];
	_ =	sdelay $0x6  }
0x2b: {  	s16 =	simm.s32 $0x8400  }
0x2c: {  	[tilespmem:s16], [sflag:$0x1] =	stream.indirect_vreg.gather [hbm4b:s1+s12], $0x80, v1, vm0, $0xb8;
	[tilespmem:$0x1FC00] =	vst v63  }
0x2d: {  	v1 =	vld [tilespmem:s14+$0x6440];
	_ =	sdelay $0x6  }
0x2e: {  	s16 =	simm.s32 $0x8C00  }
0x2f: {  	[tilespmem:s16], [sflag:$0x1] =	stream.indirect_vreg.gather [hbm4b:s1+s12], $0x80, v1, vm0, $0xb8;
	[tilespmem:$0x1FC00] =	vst v63  }
0x30: {  	v1 =	vld [tilespmem:s14+$0x6450];
	_ =	sdelay $0x6  }
0x31: {  	s16 =	simm.s32 $0x9400  }
0x32: {  	[tilespmem:s16], [sflag:$0x1] =	stream.indirect_vreg.gather [hbm4b:s1+s12], $0x80, v1, vm0, $0xb8;
	[tilespmem:$0x1FC00] =	vst v63  }
0x33: {  	v1 =	vld [tilespmem:s14+$0x6460];
	_ =	sdelay $0x7  }
0x34: {  	[tilespmem:s17], [sflag:$0x1] =	stream.indirect_vreg.gather [hbm4b:s1+s12], $0x80, v1, vm0, $0xb8;
	[tilespmem:$0x1FC00] =	vst v63  }
0x35: {  	v1 =	vld [tilespmem:s14+$0x6470];
	_ =	sdelay $0x7  }
0x36: {  	[tilespmem:s18], [sflag:$0x1] =	stream.indirect_vreg.gather [hbm4b:s1+s12], $0x80, v1, vm0, $0xb8;
	[tilespmem:$0x1FC00] =	vst v63  }
0x37: {  	v1 =	vld [tilespmem:s14+$0x6800];
	_ =	sdelay $0x7  }
0x38: {  	[tilespmem:s19], [sflag:$0x1] =	stream.indirect_vreg.gather [hbm4b:s1+s12], $0x80, v1, vm0, $0xb8;
	[tilespmem:$0x1FC00] =	vst v63  }
0x39: {  	v1 =	vld [tilespmem:s14+$0x6810];
	_ =	sdelay $0x7  }
0x3a: {  	[tilespmem:s20], [sflag:$0x1] =	stream.indirect_vreg.gather [hbm4b:s1+s12], $0x80, v1, vm0, $0xb8;
	[tilespmem:$0x1FC00] =	vst v63  }
0x3b: {  	v1 =	vld [tilespmem:s14+$0x6820];
	_ =	sdelay $0x7  }
0x3c: {  	[tilespmem:s21], [sflag:$0x1] =	stream.indirect_vreg.gather [hbm4b:s1+s12], $0x80, v1, vm0, $0xb8;
	[tilespmem:$0x1FC00] =	vst v63  }
0x3d: {  	v1 =	vld [tilespmem:s14+$0x6830];
	_ =	sdelay $0x7  }
0x3e: {  	[tilespmem:s22], [sflag:$0x1] =	stream.indirect_vreg.gather [hbm4b:s1+s12], $0x80, v1, vm0, $0xb8;
	[tilespmem:$0x1FC00] =	vst v63  }
0x3f: {  	v1 =	vld [tilespmem:s14+$0x6830]  }
0x40: {  	v2 =	vld.msk [tilespmem:s14+$0x6840], $0xff;
	_ =	sdelay $0x4  }
0x41: {  	v1 =	vperm.xlane v1, v0;
	v2 =	vperm.xlane v2, v0;
	_ =	sdelay $0x1  }
0x42: {  	v1 =	vsel vm1, v1, v2;
	_ =	sdelay $0x4  }
0x43: {  	[tilespmem:s23], [sflag:$0x1] =	stream.indirect_vreg.gather [hbm4b:s1+s12], $0x80, v1, vm0, $0xb8;
	[tilespmem:$0x1FC00] =	vst v63  }
0x44: {  	v1 =	vld [tilespmem:s14+$0x6480];
	_ =	sdelay $0x7  }
0x45: {  	[tilespmem:s24], [sflag:$0x1] =	stream.indirect_vreg.gather [hbm4b:s1+s12], $0x80, v1, vm0, $0xb8;
	[tilespmem:$0x1FC00] =	vst v63  }
0x46: {  	v1 =	vld [tilespmem:s14+$0x6490];
	_ =	sdelay $0x7  }
0x47: {  	[tilespmem:s25], [sflag:$0x1] =	stream.indirect_vreg.gather [hbm4b:s1+s12], $0x80, v1, vm0, $0xb8;
	[tilespmem:$0x1FC00] =	vst v63  }
0x48: {  	v1 =	vld [tilespmem:s14+$0x64A0];
	_ =	sdelay $0x7  }
0x49: {  	[tilespmem:s26], [sflag:$0x1] =	stream.indirect_vreg.gather [hbm4b:s1+s12], $0x80, v1, vm0, $0xb8;
	[tilespmem:$0x1FC00] =	vst v63  }
0x4a: {  	v1 =	vld [tilespmem:s14+$0x64B0];
	_ =	sdelay $0x7  }
0x4b: {  	[tilespmem:s28], [sflag:$0x1] =	stream.indirect_vreg.gather [hbm4b:s1+s12], $0x80, v1, vm0, $0xb8;
	[tilespmem:$0x1FC00] =	vst v63  }
0x4c: {  	v1 =	vld [tilespmem:s14+$0x64C0];
	_ =	sdelay $0x7  }
0x4d: {  	[tilespmem:s29], [sflag:$0x1] =	stream.indirect_vreg.gather [hbm4b:s1+s12], $0x80, v1, vm0, $0xb8;
	[tilespmem:$0x1FC00] =	vst v63  }
0x4e: {  	v1 =	vld [tilespmem:s14+$0x64D0];
	_ =	sdelay $0x7  }
0x4f: {  	[tilespmem:s30], [sflag:$0x1] =	stream.indirect_vreg.gather [hbm4b:s1+s12], $0x80, v1, vm0, $0xb8;
	[tilespmem:$0x1FC00] =	vst v63  }
0x50: {  	v1 =	vld [tilespmem:s14+$0x64E0];
	_ =	sdelay $0x7  }
0x51: {  	[tilespmem:s31], [sflag:$0x1] =	stream.indirect_vreg.gather [hbm4b:s1+s12], $0x80, v1, vm0, $0xb8;
	[tilespmem:$0x1FC00] =	vst v63  }
0x52: {  	v1 =	vld [tilespmem:s14+$0x64F0];
	_ =	sdelay $0x7  }
0x53: {  	[tilespmem:s0], [sflag:$0x1] =	stream.indirect_vreg.gather [hbm4b:s1+s12], $0x80, v1, vm0, $0xb8;
	[tilespmem:$0x1FC00] =	vst v63  }
0x54: {  	v1 =	vld [tilespmem:s14+$0x6880];
	_ =	sdelay $0x7  }
0x55: {  	[tilespmem:s3], [sflag:$0x1] =	stream.indirect_vreg.gather [hbm4b:s1+s12], $0x80, v1, vm0, $0xb8;
	[tilespmem:$0x1FC00] =	vst v63  }
0x56: {  	v1 =	vld [tilespmem:s14+$0x6890];
	_ =	sdelay $0x7  }
0x57: {  	[tilespmem:s5], [sflag:$0x1] =	stream.indirect_vreg.gather [hbm4b:s1+s12], $0x80, v1, vm0, $0xb8;
	[tilespmem:$0x1FC00] =	vst v63  }
0x58: {  	v1 =	vld [tilespmem:s14+$0x68A0];
	_ =	sdelay $0x7  }
0x59: {  	[tilespmem:s8], [sflag:$0x1] =	stream.indirect_vreg.gather [hbm4b:s1+s12], $0x80, v1, vm0, $0xb8;
	[tilespmem:$0x1FC00] =	vst v63  }
0x5a: {  	v1 =	vld [tilespmem:s14+$0x68B0];
	_ =	sdelay $0x7  }
0x5b: {  	[tilespmem:s10], [sflag:$0x1] =	stream.indirect_vreg.gather [hbm4b:s1+s12], $0x80, v1, vm0, $0xb8;
	[tilespmem:$0x1FC00] =	vst v63  }
0x5c: {  	v1 =	vld [tilespmem:s14+$0x68B0]  }
0x5d: {  	v2 =	vld.msk [tilespmem:s14+$0x68C0], $0xff;
	_ =	sdelay $0x4  }
0x5e: {  	v1 =	vperm.xlane v1, v0;
	v2 =	vperm.xlane v2, v0;
	_ =	sdelay $0x1  }
0x5f: {  	v1 =	vsel vm1, v1, v2;
	_ =	sdelay $0x4  }
0x60: {  	[tilespmem:s4], [sflag:$0x1] =	stream.indirect_vreg.gather [hbm4b:s1+s12], $0x80, v1, vm0, $0xb8;
	[tilespmem:$0x1FC00] =	vst v63  }
0x61: {  	_ =	swait.ge [sflag:s7], $0x800  }
0x62: {  	[sflag:s7] =	ssyncset.done $0x0  }
0x63: {  	[sflag:s7] =	ssyncadd.s32 $0xFFFFF800  }
0x64: {  	_ =	swait.ge [sflag:s7], $0x800  }
0x65: {  	[sflag:s7] =	ssyncset.done $0x0  }
0x66: {  	[sflag:s7] =	ssyncadd.s32 $0xFFFFF800  }
0x67: {  	_ =	swait.ge [sflag:s7], $0x800  }
0x68: {  	[sflag:s7] =	ssyncset.done $0x0  }
0x69: {  	[sflag:s7] =	ssyncadd.s32 $0xFFFFF800  }
0x6a: {  	_ =	swait.ge [sflag:s7], $0x800  }
0x6b: {  	[sflag:s7] =	ssyncset.done $0x0  }
0x6c: {  	[sflag:s7] =	ssyncadd.s32 $0xFFFFF800  }
0x6d: {  	_ =	swait.ge [sflag:s7], $0x800  }
0x6e: {  	[sflag:s7] =	ssyncset.done $0x0  }
0x6f: {  	[sflag:s7] =	ssyncadd.s32 $0xFFFFF800  }
0x70: {  	_ =	swait.ge [sflag:s7], $0x800  }
0x71: {  	[sflag:s7] =	ssyncset.done $0x0  }
0x72: {  	[sflag:s7] =	ssyncadd.s32 $0xFFFFF800  }
0x73: {  	_ =	swait.ge [sflag:s7], $0x800  }
0x74: {  	[sflag:s7] =	ssyncset.done $0x0  }
0x75: {  	[sflag:s7] =	ssyncadd.s32 $0xFFFFF800  }
0x76: {  	_ =	swait.ge [sflag:s7], $0x800  }
0x77: {  	[sflag:s7] =	ssyncset.done $0x0  }
0x78: {  	[sflag:s7] =	ssyncadd.s32 $0xFFFFF800  }
0x79: {  	_ =	swait.ge [sflag:s7], $0x800  }
0x7a: {  	[sflag:s7] =	ssyncset.done $0x0  }
0x7b: {  	[sflag:s7] =	ssyncadd.s32 $0xFFFFF800  }
0x7c: {  	_ =	swait.ge [sflag:s7], $0x800  }
0x7d: {  	[sflag:s7] =	ssyncset.done $0x0  }
0x7e: {  	[sflag:s7] =	ssyncadd.s32 $0xFFFFF800  }
0x7f: {  	_ =	swait.ge [sflag:s7], $0x800  }
0x80: {  	[sflag:s7] =	ssyncset.done $0x0  }
0x81: {  	[sflag:s7] =	ssyncadd.s32 $0xFFFFF800  }
0x82: {  	_ =	swait.ge [sflag:s7], $0x800  }
0x83: {  	[sflag:s7] =	ssyncset.done $0x0  }
0x84: {  	[sflag:s7] =	ssyncadd.s32 $0xFFFFF800  }
0x85: {  	_ =	swait.ge [sflag:s7], $0x800  }
0x86: {  	[sflag:s7] =	ssyncset.done $0x0  }
0x87: {  	[sflag:s7] =	ssyncadd.s32 $0xFFFFF800  }
0x88: {  	_ =	swait.ge [sflag:s7], $0x800  }
0x89: {  	[sflag:s7] =	ssyncset.done $0x0  }
0x8a: {  	[sflag:s7] =	ssyncadd.s32 $0xFFFFF800  }
0x8b: {  	_ =	swait.ge [sflag:s7], $0x800  }
0x8c: {  	[sflag:s7] =	ssyncset.done $0x0  }
0x8d: {  	[sflag:s7] =	ssyncadd.s32 $0xFFFFF800  }
0x8e: {  	_ =	swait.ge [sflag:s7], $0x800  }
0x8f: {  	[sflag:s7] =	ssyncset.done $0x0  }
0x90: {  	[sflag:s7] =	ssyncadd.s32 $0xFFFFF800  }
0x91: {  	_ =	swait.ge [sflag:s7], $0x800  }
0x92: {  	[sflag:s7] =	ssyncset.done $0x0  }
0x93: {  	[sflag:s7] =	ssyncadd.s32 $0xFFFFF800  }
0x94: {  	_ =	swait.ge [sflag:s7], $0x800  }
0x95: {  	[sflag:s7] =	ssyncset.done $0x0  }
0x96: {  	[sflag:s7] =	ssyncadd.s32 $0xFFFFF800  }
0x97: {  	_ =	swait.ge [sflag:s7], $0x800  }
0x98: {  	[sflag:s7] =	ssyncset.done $0x0  }
0x99: {  	[sflag:s7] =	ssyncadd.s32 $0xFFFFF800  }
0x9a: {  	_ =	swait.ge [sflag:s7], $0x800  }
0x9b: {  	[sflag:s7] =	ssyncset.done $0x0  }
0x9c: {  	[sflag:s7] =	ssyncadd.s32 $0xFFFFF800  }
0x9d: {  	_ =	swait.ge [sflag:s7], $0x800  }
0x9e: {  	[sflag:s7] =	ssyncset.done $0x0  }
0x9f: {  	[sflag:s7] =	ssyncadd.s32 $0xFFFFF800  }
0xa0: {  	_ =	swait.ge [sflag:s7], $0x800  }
0xa1: {  	[sflag:s7] =	ssyncset.done $0x0  }
0xa2: {  	[sflag:s7] =	ssyncadd.s32 $0xFFFFF800  }
0xa3: {  	_ =	swait.ge [sflag:s7], $0x800  }
0xa4: {  	[sflag:s7] =	ssyncset.done $0x0  }
0xa5: {  	[sflag:s7] =	ssyncadd.s32 $0xFFFFF800  }
0xa6: {  	_ =	swait.ge [sflag:s7], $0x800  }
0xa7: {  	[sflag:s7] =	ssyncset.done $0x0  }
0xa8: {  	[sflag:s7] =	ssyncadd.s32 $0xFFFFF800  }
0xa9: {  	_ =	swait.ge [sflag:s7], $0x800  }
0xaa: {  	[sflag:s7] =	ssyncset.done $0x0  }
0xab: {  	[sflag:s7] =	ssyncadd.s32 $0xFFFFF800  }
0xac: {  	_ =	swait.ge [sflag:s7], $0x800  }
0xad: {  	[sflag:s7] =	ssyncset.done $0x0  }
0xae: {  	s14 =	simm.s32 $0x0;
	[sflag:s7] =	ssyncadd.s32 $0xFFFFF800  }
0xaf: {  	v5 =	vld [tilespmem:s14+$0x30]  }
0xb0: {  	v3 =	vld [tilespmem:s14+$0xD030]  }
0xb1: {  	v4 =	vld [tilespmem:s14+$0x6C00]  }
0xb2: {  	v1 =	vld [tilespmem:s14+$0x0]  }
0xb3: {  	v6 =	vld [tilespmem:s14+$0x6C10]  }
0xb4: {  	v2 =	vld [tilespmem:s14+$0x10]  }
0xb5: {  	v10 =	vld [tilespmem:s14+$0x6C20]  }
0xb6: {  	v7 =	vadd.f32 v5, v3;
	v3 =	vld [tilespmem:s14+$0x20]  }
0xb7: {  	v9 =	vld [tilespmem:s14+$0x6C30]  }
0xb8: {  	v8 =	vld [tilespmem:s14+$0xD000];
	v4 =	vadd.f32 v1, v4  }
0xb9: {  	v11 =	vadd.f32 v2, v6;
	[tilespmem:s14+$0x19830] =	vst v7;
	v7 =	vld [tilespmem:s14+$0xD010]  }
0xba: {  	s15 =	simm.s32 $0x80;
	v6 =	vld [tilespmem:s14+$0xD020];
	[tilespmem:s14+$0x13400] =	vst v4  }
0xbb: {  	s16 =	simm.s32 $0x400;
	v4 =	vld [tilespmem:s15+$0x30];
	[tilespmem:s14+$0x13410] =	vst v11;
	v10 =	vadd.f32 v3, v10  }
.LBB2_4:
0xbc: {  	p0 =	sne.s32 s16, $0x18E00;
	v11 =	vld [tilespmem:s15+$0xD030];
	v5 =	vadd.f32 v5, v9  }
0xbd: {  	v9 =	vld [tilespmem:s15+$0x6C00];
	[tilespmem:s14+$0x13420] =	vst v10;
	v8 =	vadd.f32 v1, v8  }
0xbe: {  	v1 =	vld [tilespmem:s15+$0x0];
	[tilespmem:s14+$0x13430] =	vst v5;
	v10 =	vadd.f32 v2, v7  }
0xbf: {  	v7 =	vld [tilespmem:s15+$0x6C10];
	[tilespmem:s14+$0x19800] =	vst v8;
	v3 =	vadd.f32 v3, v6  }
0xc0: {  	v2 =	vld [tilespmem:s15+$0x10];
	[tilespmem:s14+$0x19810] =	vst v10;
	v5 =	vmov v4  }
0xc1: {  	v10 =	vld [tilespmem:s15+$0x6C20];
	v4 =	vadd.f32 v5, v11;
	[tilespmem:s14+$0x19820] =	vst v3;
	s14 =	smov.u32 s15  }
0xc2: {  	v3 =	vld [tilespmem:s14+$0x20]  }
.Ltmp0:
0xc3: {  	v6 =	vadd.f32 v1, v9;
	v9 =	vld [tilespmem:s14+$0x6C30];
	[tilespmem:s14+$0x19830] =	vst v4;
	(pc) =	sbr.rel @p0 .LBB2_4-.Ltmp0, $4  }
0xc4: {  	v8 =	vld [tilespmem:s14+$0xD000]  }
0xc5: {  	[tilespmem:s14+$0x13400] =	vst v6;
	v11 =	vadd.f32 v2, v7;
	v7 =	vld [tilespmem:s14+$0xD010]  }
0xc6: {  	s15 =	sshra.s32 s16, $0x2;
	v6 =	vld [tilespmem:s14+$0xD020]  }
0xc7: {  	s16 =	sadd.s32 $0x200, s16;
	v4 =	vld [tilespmem:s15+$0x30];
	[tilespmem:s14+$0x13410] =	vst v11;
	v10 =	vadd.f32 v3, v10  }
0xc8: {  	v11 =	vld [tilespmem:s15+$0xD030];
	v5 =	vadd.f32 v5, v9  }
0xc9: {  	v12 =	vld [tilespmem:s15+$0x6C00];
	[tilespmem:s14+$0x13420] =	vst v10;
	v1 =	vadd.f32 v1, v8  }
0xca: {  	v58 =	vld [tilespmem:s15+$0x0];
	[tilespmem:s14+$0x13430] =	vst v5;
	v2 =	vadd.f32 v2, v7  }
0xcb: {  	v5 =	vld [tilespmem:s15+$0x6C10];
	[tilespmem:s14+$0x19800] =	vst v1;
	v3 =	vadd.f32 v3, v6  }
0xcc: {  	v1 =	vld [tilespmem:s15+$0x10];
	[tilespmem:s14+$0x19810] =	vst v2  }
0xcd: {  	v2 =	vld [tilespmem:s15+$0x6C20];
	[tilespmem:s14+$0x19820] =	vst v3  }
0xce: {  	v3 =	vadd.f32 v4, v11;
	v59 =	vld [tilespmem:s15+$0x20]  }
0xcf: {  	v60 =	vld [tilespmem:s15+$0x6C30]  }
0xd0: {  	[tilespmem:s15+$0x19830] =	vst v3;
	v3 =	vld [tilespmem:s15+$0xD000]  }
0xd1: {  	v62 =	vld [tilespmem:s15+$0xD010];
	v61 =	vadd.f32 v58, v12  }
0xd2: {  	v10 =	vld [tilespmem:s15+$0xD020];
	v5 =	vadd.f32 v1, v5  }
0xd3: {  	[tilespmem:s15+$0x13400] =	vst v61;
	v2 =	vadd.f32 v59, v2  }
0xd4: {  	[tilespmem:s15+$0x13410] =	vst v5;
	v63 =	vadd.f32 v4, v60  }
0xd5: {  	s16 =	sshll.u32 s13, $0x1;
	[tilespmem:s15+$0x13420] =	vst v2;
	v2 =	vadd.f32 v58, v3  }
0xd6: {  	s14 =	sadd.s32 s11, s16;
	v1 =	vadd.f32 v1, v62;
	[tilespmem:s15+$0x13430] =	vst v63  }
0xd7: {  	s13 =	sadd.s32 $0x1, s13;
	s14 =	smul.u32 $0xC80, s14;
	[tilespmem:s15+$0x19800] =	vst v2;
	v2 =	vadd.f32 v59, v10  }
0xd8: {  	p0 =	sne.s32 s13, $0x4;
	[tilespmem:s15+$0x19810] =	vst v1  }
.Ltmp1:
0xd9: {  	s16 =	simm.s32 $0x0;
	s14 =	sadd.s32 s6, s14;
	[tilespmem:s15+$0x19820] =	vst v2;
	(pc) =	sbr.rel @p0 .LBB2_3-.Ltmp1, $4  }
0xda: {  	[hbm4b:s14+s16] =	stream.linear.scatter [tilespmem:s2], [sflag:$0x2], $0xC800, $0x38;
	[tilespmem:$0x1FC00] =	vst v63  }
0xdb: {  	_ =	swait.ge [sflag:s9], $0xC800  }
0xdc: {  	[sflag:s9] =	ssyncset.done $0x0  }
0xdd: {  	[sflag:s9] =	ssyncadd.s32 $0xFFFF3800  }
0xde: {  	s11 =	rddreg [dreg:$0x8]  }
0xdf: {  	s11 =	sadd.s32 $0x1, s11  }
0xe0: {  	p0 =	sne.s32 s11, $0x10  }
.Ltmp2:
0xe1: {  	_ = 	snop;
	(pc) =	sbr.rel @p0 .LBB2_2-.Ltmp2, $1  }
0xe2: {  	_ =	sdelay $0x3  }
0xe3: {  	s12 =	rddreg [dreg:$0x7]  }
0xe4: {  	s11 =	rddreg [dreg:$0x6];
	s12 =	sadd.s32 $0x1, s12  }
0xe5: {  	p0 =	sne.s32 s12, s11  }
.Ltmp3:
0xe6: {  	_ = 	snop;
	(pc) =	sbr.rel @p0 .LBB2_1-.Ltmp3, $1  }
0xe7: {  	_ =	sdelay $0x3  }
0xe8: {  	_ =	sfence.sel $0x180000  }
0xe9: {  	[bflag:$0x0] =	sbarrier.arrive $0xFFFF  }
0xea: {  	_ =	strace $0x90000047  }
0xeb: {  	s0 =	stileid.u32;
	[bflag:$0x2] =	sbarrier.arrive $0xFFFF  }
0xec: {  	p0 =	sne.s32 s0, $0x0;
	s0 =	rddreg [dreg:$0x2]  }
0xed: {  	s0 =	sadd.s32 @!p0 $0x100000, s0  }
0xee: {  	[sflag:s0] =	ssyncadd.tile.s32 @!p0 $0x1;
	_ =	shalt  }
.Lfunc_end2:
_tile_overlayer_lowered:
.L_overlay_start_2:
0xef: {  	(tag) =	ssettag $0x2  }
0xf0: {  	s0 =	rddreg [dreg:$0x0];
	s2 =	stileid.u32  }
0xf1: {  	s1 =	rddreg [dreg:$0x1];
	p0 =	sne.s32 s2, $0x0  }
0xf2: {  	s3 =	rddreg [dreg:$0x2];
	[bflag:$0x3] =	sbarrier.arrive $0xFFFF;
	s2 =	simm.s32 @!p0 $0x1C02  }
0xf3: {  	[timem:s3], [sflag:s2] =	dma.local @!p0 [hbm:s0], s1  }
0xf4: {  	s0 =	simm.s32 @!p0 $0x2  }
0xf5: {  	_ =	swait.ge @!p0 [sflag:s0], s1  }
0xf6: {  	s1 =	ssub.s32 @!p0 $0x0, s1;
	[sflag:s0] =	ssyncset.done @!p0 $0x0  }
0xf7: {  	[sflag:s0] =	ssyncadd.s32 @!p0 s1  }
0xf8: {  	[bflag:$0x3] =	sbarrier.arrive $0xFFFF  }
0xf9: {  	_ =	shalt  }

</sc_bundles>
